<compile_context>
chip_gen: v7x
topology: tpu7x:2x2x1
jax: 0.10.2.dev20260603
libtpu: 0.0.44.dev20260713+nightly
codegen_flags: <defaults>
</compile_context>

<pallas_src>
import functools

import jax
import jax.numpy as jnp
from jax import lax
from jax.experimental import pallas as pl
from jax.experimental.pallas import tpu as pltpu
from jax.experimental.pallas import tpu_sc as plsc

NC = 2
NS = 16
NW = NC * NS

CHUNK = 1600
SPLIT = 4


@functools.lru_cache(maxsize=None)
def _build(N: int, V: int, D: int):
    n_per_w = N // NW
    n_chunks = n_per_w // CHUNK
    mesh = plsc.VectorSubcoreMesh(core_axis_name="c", subcore_axis_name="s")

    @functools.partial(
        pl.kernel,
        mesh=mesh,
        compiler_params=pltpu.CompilerParams(use_tc_tiling_on_sc=False),
        out_type=jax.ShapeDtypeStruct((N, D), jnp.float32),
        scratch_types=[
            pltpu.VMEM((n_per_w,), jnp.int32),
            pltpu.VMEM((CHUNK, D), jnp.float32),
            pltpu.VMEM((CHUNK, D), jnp.float32),
            pltpu.SemaphoreType.DMA,
            pltpu.SemaphoreType.DMA,
            pltpu.SemaphoreType.DMA,
            pltpu.SemaphoreType.DMA,
        ],
    )
    def gather_kernel(table_hbm, idx_hbm, out_hbm,
                      idx_v, rows0, rows1, g0, g1, o0, o1):
        wid = lax.axis_index("s") * NC + lax.axis_index("c")
        w_base = wid * n_per_w
        rows = (rows0, rows1)
        gsem = (g0, g1)
        osem = (o0, o1)

        pltpu.sync_copy(idx_hbm.at[pl.ds(w_base, n_per_w)], idx_v)

        def gather(i, b):
            return pltpu.async_copy(
                table_hbm.at[idx_v.at[pl.ds(i * CHUNK, CHUNK)]],
                rows[b], gsem[b])

        def writeback(i, b):
            return pltpu.async_copy(
                rows[b], out_hbm.at[pl.ds(w_base + i * CHUNK, CHUNK)],
                osem[b])

        pending_g = gather(0, 0)
        pending_o = [None, None]
        for i in range(n_chunks):
            b = i % 2
            pending_g.wait()
            if i + 1 < n_chunks:
                if pending_o[1 - b] is not None:
                    pending_o[1 - b].wait()
                pending_g = gather(i + 1, 1 - b)
            pending_o[b] = writeback(i, b)
        for p in pending_o:
            if p is not None:
                p.wait()

    return gather_kernel


def kernel(x, table):
    Bq, Lq = x.shape
    V, D = table.shape
    N = Bq * Lq
    idx = x.reshape(N).astype(jnp.int32)
    npiece = N // SPLIT
    bpiece = Bq // SPLIT
    gk = _build(npiece, V, D)
    pieces = [
        gk(table, lax.slice(idx, (i * npiece,), ((i + 1) * npiece,)))
        .reshape(bpiece, Lq, D)
        for i in range(SPLIT)
    ]
    return jnp.concatenate(pieces, axis=0)

# --- scband reference (transcript-rebuilt; emitter-appended) ---
"""Pipeline reference for scband-embedding-layer-55001351192882 (READ-ONLY COPY).

The authoritative reference and input builder live on the scoring server;
editing this copy changes nothing except your own understanding.
"""

import jax, jax.numpy as jnp
import numpy as np

VOCAB = 1000000
EMBED = 32
B = 4096
L = 200

def setup_inputs(seed: int = 0) -> dict:
    key = jax.random.key(seed)
    k_idx, k_tab = jax.random.split(key)
    x = jax.random.randint(k_idx, (B, L), 0, VOCAB, dtype=jnp.int64)
    table = jax.random.normal(k_tab, (VOCAB, EMBED), dtype=jnp.float32)
    return {"x": x, "table": table}

def reference(x, table):
    # nn.Embedding forward: row gather from the embedding table
    return jnp.take(table, x, axis=0)

if __name__ == "__main__":
    import jax
    _d = setup_inputs()
    print(jax.jit(kernel)(*tuple(_d.values())))

</pallas_src>

<mosaic_0001>
#map = affine_map<(d0, d1) -> (0, 0)>
#map1 = affine_map<(d0, d1) -> (0)>
module attributes {stable_mosaic.version = 14 : i64} {
  func.func @gather_kernel(%arg0: i32, %arg1: i32, %arg2: memref<1000000x32xf32, #tpu.memory_space<hbm>>, %arg3: memref<204800xi32, #tpu.memory_space<hbm>>, %arg4: memref<204800x32xf32, #tpu.memory_space<hbm>>, %arg5: memref<6400xi32, #tpu.memory_space<vmem>>, %arg6: memref<1600x32xf32, #tpu.memory_space<vmem>>, %arg7: memref<1600x32xf32, #tpu.memory_space<vmem>>, %arg8: memref<!tpu.dma_semaphore, #tpu.memory_space<semaphore_mem>>, %arg9: memref<!tpu.dma_semaphore, #tpu.memory_space<semaphore_mem>>, %arg10: memref<!tpu.dma_semaphore, #tpu.memory_space<semaphore_mem>>, %arg11: memref<!tpu.dma_semaphore, #tpu.memory_space<semaphore_mem>>) attributes {dimension_semantics = [#tpu.dimension_semantics<core_parallel>, #tpu.dimension_semantics<subcore_parallel>], iteration_bounds = array<i64: 2, 16>, scalar_prefetch = 0 : i64, scratch_operands = 7 : i64, tpu.core_type = #tpu.core_type<sc_vector_subcore>, window_params = [{transform_indices = #map}, {transform_indices = #map1}, {transform_indices = #map}]} {
    %mul3A = arith.constant 2 : i32
    %mul3A_0 = arith.muli %arg1, %mul3A : i32
    %add3A = arith.addi %mul3A_0, %arg0 : i32
    %mul3A_1 = arith.constant 6400 : i32
    %mul3A_2 = arith.muli %add3A, %mul3A_1 : i32
    "tpu.region"() ({
      %run_scoped3A = tpu.sem_alloc : memref<!tpu.dma_semaphore, #tpu.memory_space<semaphore_mem>>
      %dma_start3A_81 = tpu.memref_slice %arg3[%mul3A_2] : memref<204800xi32, #tpu.memory_space<hbm>> -> memref<6400xi32, #tpu.memory_space<hbm>>
      %dma_start3A_82 = tpu.memref_slice %arg3[%mul3A_2] : memref<204800xi32, #tpu.memory_space<hbm>> -> memref<6400xi32, #tpu.memory_space<hbm>>
      tpu.enqueue_dma source(%dma_start3A_82 : memref<6400xi32, #tpu.memory_space<hbm>>) target(%arg5 : memref<6400xi32, #tpu.memory_space<vmem>>) target_semaphore(%run_scoped3A : memref<!tpu.dma_semaphore, #tpu.memory_space<semaphore_mem>>)
      %dma_wait3A_83 = tpu.memref_slice %arg3[%mul3A_2] : memref<204800xi32, #tpu.memory_space<hbm>> -> memref<6400xi32, #tpu.memory_space<hbm>>
      %dma_wait3A_84 = tpu.memref_slice %arg3[%mul3A_2] : memref<204800xi32, #tpu.memory_space<hbm>> -> memref<6400xi32, #tpu.memory_space<hbm>>
      tpu.wait_dma2 semaphore(%run_scoped3A : memref<!tpu.dma_semaphore, #tpu.memory_space<semaphore_mem>>) src(%dma_wait3A_84 : memref<6400xi32, #tpu.memory_space<hbm>>) dst(%arg5 : memref<6400xi32, #tpu.memory_space<vmem>>)
      tpu.yield
    }) : () -> ()
    %dma_start3A = arith.constant 0 : i32
    %dma_start3A_3 = tpu.memref_slice %arg5[%dma_start3A] : memref<6400xi32, #tpu.memory_space<vmem>> -> memref<1600xi32, #tpu.memory_space<vmem>>
    %dma_start3A_4 = arith.constant 0 : i32
    %dma_start3A_5 = arith.constant 0 : i32
    %dma_start3A_6 = tpu.memref_slice %arg2[%dma_start3A_4, %dma_start3A_5] : memref<1000000x32xf32, #tpu.memory_space<hbm>> -> memref<1000000x32xf32, #tpu.memory_space<hbm>>
    tpu.enqueue_indirect_dma source(%dma_start3A_6 : memref<1000000x32xf32, #tpu.memory_space<hbm>>) target(%arg6 : memref<1600x32xf32, #tpu.memory_space<vmem>>) offsets(%dma_start3A_3 : memref<1600xi32, #tpu.memory_space<vmem>>) semaphore(%arg8 : memref<!tpu.dma_semaphore, #tpu.memory_space<semaphore_mem>>)
    %dma_wait3A = arith.constant 0 : i32
    %dma_wait3A_7 = tpu.memref_slice %arg5[%dma_wait3A] : memref<6400xi32, #tpu.memory_space<vmem>> -> memref<1600xi32, #tpu.memory_space<vmem>>
    %dma_wait3A_8 = arith.constant 0 : i32
    %dma_wait3A_9 = arith.constant 0 : i32
    %dma_wait3A_10 = tpu.memref_slice %arg2[%dma_wait3A_8, %dma_wait3A_9] : memref<1000000x32xf32, #tpu.memory_space<hbm>> -> memref<1000000x32xf32, #tpu.memory_space<hbm>>
    tpu.wait_indirect_dma semaphore(%arg8 : memref<!tpu.dma_semaphore, #tpu.memory_space<semaphore_mem>>) src(%dma_wait3A_10 : memref<1000000x32xf32, #tpu.memory_space<hbm>>) dst(%arg6 : memref<1600x32xf32, #tpu.memory_space<vmem>>)
    %dma_start3A_11 = arith.constant 1600 : i32
    %dma_start3A_12 = tpu.memref_slice %arg5[%dma_start3A_11] : memref<6400xi32, #tpu.memory_space<vmem>> -> memref<1600xi32, #tpu.memory_space<vmem>>
    %dma_start3A_13 = arith.constant 0 : i32
    %dma_start3A_14 = arith.constant 0 : i32
    %dma_start3A_15 = tpu.memref_slice %arg2[%dma_start3A_13, %dma_start3A_14] : memref<1000000x32xf32, #tpu.memory_space<hbm>> -> memref<1000000x32xf32, #tpu.memory_space<hbm>>
    tpu.enqueue_indirect_dma source(%dma_start3A_15 : memref<1000000x32xf32, #tpu.memory_space<hbm>>) target(%arg7 : memref<1600x32xf32, #tpu.memory_space<vmem>>) offsets(%dma_start3A_12 : memref<1600xi32, #tpu.memory_space<vmem>>) semaphore(%arg9 : memref<!tpu.dma_semaphore, #tpu.memory_space<semaphore_mem>>)
    %add3A_16 = arith.constant 0 : i32
    %add3A_17 = arith.addi %mul3A_2, %add3A_16 : i32
    %dma_start3A_18 = arith.constant 0 : i32
    %dma_start3A_19 = tpu.memref_slice %arg4[%add3A_17, %dma_start3A_18] : memref<204800x32xf32, #tpu.memory_space<hbm>> -> memref<1600x32xf32, #tpu.memory_space<hbm>>
    %dma_start3A_20 = arith.constant 0 : i32
    %dma_start3A_21 = tpu.memref_slice %arg4[%add3A_17, %dma_start3A_20] : memref<204800x32xf32, #tpu.memory_space<hbm>> -> memref<1600x32xf32, #tpu.memory_space<hbm>>
    tpu.enqueue_dma source(%arg6 : memref<1600x32xf32, #tpu.memory_space<vmem>>) target(%dma_start3A_21 : memref<1600x32xf32, #tpu.memory_space<hbm>>) target_semaphore(%arg10 : memref<!tpu.dma_semaphore, #tpu.memory_space<semaphore_mem>>)
    %dma_wait3A_22 = arith.constant 1600 : i32
    %dma_wait3A_23 = tpu.memref_slice %arg5[%dma_wait3A_22] : memref<6400xi32, #tpu.memory_space<vmem>> -> memref<1600xi32, #tpu.memory_space<vmem>>
    %dma_wait3A_24 = arith.constant 0 : i32
    %dma_wait3A_25 = arith.constant 0 : i32
    %dma_wait3A_26 = tpu.memref_slice %arg2[%dma_wait3A_24, %dma_wait3A_25] : memref<1000000x32xf32, #tpu.memory_space<hbm>> -> memref<1000000x32xf32, #tpu.memory_space<hbm>>
    tpu.wait_indirect_dma semaphore(%arg9 : memref<!tpu.dma_semaphore, #tpu.memory_space<semaphore_mem>>) src(%dma_wait3A_26 : memref<1000000x32xf32, #tpu.memory_space<hbm>>) dst(%arg7 : memref<1600x32xf32, #tpu.memory_space<vmem>>)
    %dma_wait3A_27 = arith.constant 0 : i32
    %dma_wait3A_28 = tpu.memref_slice %arg4[%add3A_17, %dma_wait3A_27] : memref<204800x32xf32, #tpu.memory_space<hbm>> -> memref<1600x32xf32, #tpu.memory_space<hbm>>
    %dma_wait3A_29 = arith.constant 0 : i32
    %dma_wait3A_30 = tpu.memref_slice %arg4[%add3A_17, %dma_wait3A_29] : memref<204800x32xf32, #tpu.memory_space<hbm>> -> memref<1600x32xf32, #tpu.memory_space<hbm>>
    tpu.wait_dma2 semaphore(%arg10 : memref<!tpu.dma_semaphore, #tpu.memory_space<semaphore_mem>>) src(%arg6 : memref<1600x32xf32, #tpu.memory_space<vmem>>) dst(%dma_wait3A_30 : memref<1600x32xf32, #tpu.memory_space<hbm>>)
    %dma_start3A_31 = arith.constant 3200 : i32
    %dma_start3A_32 = tpu.memref_slice %arg5[%dma_start3A_31] : memref<6400xi32, #tpu.memory_space<vmem>> -> memref<1600xi32, #tpu.memory_space<vmem>>
    %dma_start3A_33 = arith.constant 0 : i32
    %dma_start3A_34 = arith.constant 0 : i32
    %dma_start3A_35 = tpu.memref_slice %arg2[%dma_start3A_33, %dma_start3A_34] : memref<1000000x32xf32, #tpu.memory_space<hbm>> -> memref<1000000x32xf32, #tpu.memory_space<hbm>>
    tpu.enqueue_indirect_dma source(%dma_start3A_35 : memref<1000000x32xf32, #tpu.memory_space<hbm>>) target(%arg6 : memref<1600x32xf32, #tpu.memory_space<vmem>>) offsets(%dma_start3A_32 : memref<1600xi32, #tpu.memory_space<vmem>>) semaphore(%arg8 : memref<!tpu.dma_semaphore, #tpu.memory_space<semaphore_mem>>)
    %add3A_36 = arith.constant 1600 : i32
    %add3A_37 = arith.addi %mul3A_2, %add3A_36 : i32
    %dma_start3A_38 = arith.constant 0 : i32
    %dma_start3A_39 = tpu.memref_slice %arg4[%add3A_37, %dma_start3A_38] : memref<204800x32xf32, #tpu.memory_space<hbm>> -> memref<1600x32xf32, #tpu.memory_space<hbm>>
    %dma_start3A_40 = arith.constant 0 : i32
    %dma_start3A_41 = tpu.memref_slice %arg4[%add3A_37, %dma_start3A_40] : memref<204800x32xf32, #tpu.memory_space<hbm>> -> memref<1600x32xf32, #tpu.memory_space<hbm>>
    tpu.enqueue_dma source(%arg7 : memref<1600x32xf32, #tpu.memory_space<vmem>>) target(%dma_start3A_41 : memref<1600x32xf32, #tpu.memory_space<hbm>>) target_semaphore(%arg11 : memref<!tpu.dma_semaphore, #tpu.memory_space<semaphore_mem>>)
    %dma_wait3A_42 = arith.constant 3200 : i32
    %dma_wait3A_43 = tpu.memref_slice %arg5[%dma_wait3A_42] : memref<6400xi32, #tpu.memory_space<vmem>> -> memref<1600xi32, #tpu.memory_space<vmem>>
    %dma_wait3A_44 = arith.constant 0 : i32
    %dma_wait3A_45 = arith.constant 0 : i32
    %dma_wait3A_46 = tpu.memref_slice %arg2[%dma_wait3A_44, %dma_wait3A_45] : memref<1000000x32xf32, #tpu.memory_space<hbm>> -> memref<1000000x32xf32, #tpu.memory_space<hbm>>
    tpu.wait_indirect_dma semaphore(%arg8 : memref<!tpu.dma_semaphore, #tpu.memory_space<semaphore_mem>>) src(%dma_wait3A_46 : memref<1000000x32xf32, #tpu.memory_space<hbm>>) dst(%arg6 : memref<1600x32xf32, #tpu.memory_space<vmem>>)
    %dma_wait3A_47 = arith.constant 0 : i32
    %dma_wait3A_48 = tpu.memref_slice %arg4[%add3A_37, %dma_wait3A_47] : memref<204800x32xf32, #tpu.memory_space<hbm>> -> memref<1600x32xf32, #tpu.memory_space<hbm>>
    %dma_wait3A_49 = arith.constant 0 : i32
    %dma_wait3A_50 = tpu.memref_slice %arg4[%add3A_37, %dma_wait3A_49] : memref<204800x32xf32, #tpu.memory_space<hbm>> -> memref<1600x32xf32, #tpu.memory_space<hbm>>
    tpu.wait_dma2 semaphore(%arg11 : memref<!tpu.dma_semaphore, #tpu.memory_space<semaphore_mem>>) src(%arg7 : memref<1600x32xf32, #tpu.memory_space<vmem>>) dst(%dma_wait3A_50 : memref<1600x32xf32, #tpu.memory_space<hbm>>)
    %dma_start3A_51 = arith.constant 4800 : i32
    %dma_start3A_52 = tpu.memref_slice %arg5[%dma_start3A_51] : memref<6400xi32, #tpu.memory_space<vmem>> -> memref<1600xi32, #tpu.memory_space<vmem>>
    %dma_start3A_53 = arith.constant 0 : i32
    %dma_start3A_54 = arith.constant 0 : i32
    %dma_start3A_55 = tpu.memref_slice %arg2[%dma_start3A_53, %dma_start3A_54] : memref<1000000x32xf32, #tpu.memory_space<hbm>> -> memref<1000000x32xf32, #tpu.memory_space<hbm>>
    tpu.enqueue_indirect_dma source(%dma_start3A_55 : memref<1000000x32xf32, #tpu.memory_space<hbm>>) target(%arg7 : memref<1600x32xf32, #tpu.memory_space<vmem>>) offsets(%dma_start3A_52 : memref<1600xi32, #tpu.memory_space<vmem>>) semaphore(%arg9 : memref<!tpu.dma_semaphore, #tpu.memory_space<semaphore_mem>>)
    %add3A_56 = arith.constant 3200 : i32
    %add3A_57 = arith.addi %mul3A_2, %add3A_56 : i32
    %dma_start3A_58 = arith.constant 0 : i32
    %dma_start3A_59 = tpu.memref_slice %arg4[%add3A_57, %dma_start3A_58] : memref<204800x32xf32, #tpu.memory_space<hbm>> -> memref<1600x32xf32, #tpu.memory_space<hbm>>
    %dma_start3A_60 = arith.constant 0 : i32
    %dma_start3A_61 = tpu.memref_slice %arg4[%add3A_57, %dma_start3A_60] : memref<204800x32xf32, #tpu.memory_space<hbm>> -> memref<1600x32xf32, #tpu.memory_space<hbm>>
    tpu.enqueue_dma source(%arg6 : memref<1600x32xf32, #tpu.memory_space<vmem>>) target(%dma_start3A_61 : memref<1600x32xf32, #tpu.memory_space<hbm>>) target_semaphore(%arg10 : memref<!tpu.dma_semaphore, #tpu.memory_space<semaphore_mem>>)
    %dma_wait3A_62 = arith.constant 4800 : i32
    %dma_wait3A_63 = tpu.memref_slice %arg5[%dma_wait3A_62] : memref<6400xi32, #tpu.memory_space<vmem>> -> memref<1600xi32, #tpu.memory_space<vmem>>
    %dma_wait3A_64 = arith.constant 0 : i32
    %dma_wait3A_65 = arith.constant 0 : i32
    %dma_wait3A_66 = tpu.memref_slice %arg2[%dma_wait3A_64, %dma_wait3A_65] : memref<1000000x32xf32, #tpu.memory_space<hbm>> -> memref<1000000x32xf32, #tpu.memory_space<hbm>>
    tpu.wait_indirect_dma semaphore(%arg9 : memref<!tpu.dma_semaphore, #tpu.memory_space<semaphore_mem>>) src(%dma_wait3A_66 : memref<1000000x32xf32, #tpu.memory_space<hbm>>) dst(%arg7 : memref<1600x32xf32, #tpu.memory_space<vmem>>)
    %add3A_67 = arith.constant 4800 : i32
    %add3A_68 = arith.addi %mul3A_2, %add3A_67 : i32
    %dma_start3A_69 = arith.constant 0 : i32
    %dma_start3A_70 = tpu.memref_slice %arg4[%add3A_68, %dma_start3A_69] : memref<204800x32xf32, #tpu.memory_space<hbm>> -> memref<1600x32xf32, #tpu.memory_space<hbm>>
    %dma_start3A_71 = arith.constant 0 : i32
    %dma_start3A_72 = tpu.memref_slice %arg4[%add3A_68, %dma_start3A_71] : memref<204800x32xf32, #tpu.memory_space<hbm>> -> memref<1600x32xf32, #tpu.memory_space<hbm>>
    tpu.enqueue_dma source(%arg7 : memref<1600x32xf32, #tpu.memory_space<vmem>>) target(%dma_start3A_72 : memref<1600x32xf32, #tpu.memory_space<hbm>>) target_semaphore(%arg11 : memref<!tpu.dma_semaphore, #tpu.memory_space<semaphore_mem>>)
    %dma_wait3A_73 = arith.constant 0 : i32
    %dma_wait3A_74 = tpu.memref_slice %arg4[%add3A_57, %dma_wait3A_73] : memref<204800x32xf32, #tpu.memory_space<hbm>> -> memref<1600x32xf32, #tpu.memory_space<hbm>>
    %dma_wait3A_75 = arith.constant 0 : i32
    %dma_wait3A_76 = tpu.memref_slice %arg4[%add3A_57, %dma_wait3A_75] : memref<204800x32xf32, #tpu.memory_space<hbm>> -> memref<1600x32xf32, #tpu.memory_space<hbm>>
    tpu.wait_dma2 semaphore(%arg10 : memref<!tpu.dma_semaphore, #tpu.memory_space<semaphore_mem>>) src(%arg6 : memref<1600x32xf32, #tpu.memory_space<vmem>>) dst(%dma_wait3A_76 : memref<1600x32xf32, #tpu.memory_space<hbm>>)
    %dma_wait3A_77 = arith.constant 0 : i32
    %dma_wait3A_78 = tpu.memref_slice %arg4[%add3A_68, %dma_wait3A_77] : memref<204800x32xf32, #tpu.memory_space<hbm>> -> memref<1600x32xf32, #tpu.memory_space<hbm>>
    %dma_wait3A_79 = arith.constant 0 : i32
    %dma_wait3A_80 = tpu.memref_slice %arg4[%add3A_68, %dma_wait3A_79] : memref<204800x32xf32, #tpu.memory_space<hbm>> -> memref<1600x32xf32, #tpu.memory_space<hbm>>
    tpu.wait_dma2 semaphore(%arg11 : memref<!tpu.dma_semaphore, #tpu.memory_space<semaphore_mem>>) src(%arg7 : memref<1600x32xf32, #tpu.memory_space<vmem>>) dst(%dma_wait3A_80 : memref<1600x32xf32, #tpu.memory_space<hbm>>)
    return
  }
}

#map = affine_map<(d0, d1) -> (0, 0)>
#map1 = affine_map<(d0, d1) -> (0)>
module attributes {stable_mosaic.version = 14 : i64} {
  func.func @gather_kernel(%arg0: i32, %arg1: i32, %arg2: memref<1000000x32xf32, #tpu.memory_space<hbm>>, %arg3: memref<204800xi32, #tpu.memory_space<hbm>>, %arg4: memref<204800x32xf32, #tpu.memory_space<hbm>>, %arg5: memref<6400xi32, #tpu.memory_space<vmem>>, %arg6: memref<1600x32xf32, #tpu.memory_space<vmem>>, %arg7: memref<1600x32xf32, #tpu.memory_space<vmem>>, %arg8: memref<!tpu.dma_semaphore, #tpu.memory_space<semaphore_mem>>, %arg9: memref<!tpu.dma_semaphore, #tpu.memory_space<semaphore_mem>>, %arg10: memref<!tpu.dma_semaphore, #tpu.memory_space<semaphore_mem>>, %arg11: memref<!tpu.dma_semaphore, #tpu.memory_space<semaphore_mem>>) attributes {dimension_semantics = [#tpu.dimension_semantics<core_parallel>, #tpu.dimension_semantics<subcore_parallel>], iteration_bounds = array<i64: 2, 16>, scalar_prefetch = 0 : i64, scratch_operands = 7 : i64, tpu.core_type = #tpu.core_type<sc_vector_subcore>, window_params = [{transform_indices = #map}, {transform_indices = #map1}, {transform_indices = #map}]} {
    %mul3A = arith.constant 2 : i32
    %mul3A_0 = arith.muli %arg1, %mul3A : i32
    %add3A = arith.addi %mul3A_0, %arg0 : i32
    %mul3A_1 = arith.constant 6400 : i32
    %mul3A_2 = arith.muli %add3A, %mul3A_1 : i32
    "tpu.region"() ({
      %run_scoped3A = tpu.sem_alloc : memref<!tpu.dma_semaphore, #tpu.memory_space<semaphore_mem>>
      %dma_start3A_81 = tpu.memref_slice %arg3[%mul3A_2] : memref<204800xi32, #tpu.memory_space<hbm>> -> memref<6400xi32, #tpu.memory_space<hbm>>
      %dma_start3A_82 = tpu.memref_slice %arg3[%mul3A_2] : memref<204800xi32, #tpu.memory_space<hbm>> -> memref<6400xi32, #tpu.memory_space<hbm>>
      tpu.enqueue_dma source(%dma_start3A_82 : memref<6400xi32, #tpu.memory_space<hbm>>) target(%arg5 : memref<6400xi32, #tpu.memory_space<vmem>>) target_semaphore(%run_scoped3A : memref<!tpu.dma_semaphore, #tpu.memory_space<semaphore_mem>>)
      %dma_wait3A_83 = tpu.memref_slice %arg3[%mul3A_2] : memref<204800xi32, #tpu.memory_space<hbm>> -> memref<6400xi32, #tpu.memory_space<hbm>>
      %dma_wait3A_84 = tpu.memref_slice %arg3[%mul3A_2] : memref<204800xi32, #tpu.memory_space<hbm>> -> memref<6400xi32, #tpu.memory_space<hbm>>
      tpu.wait_dma2 semaphore(%run_scoped3A : memref<!tpu.dma_semaphore, #tpu.memory_space<semaphore_mem>>) src(%dma_wait3A_84 : memref<6400xi32, #tpu.memory_space<hbm>>) dst(%arg5 : memref<6400xi32, #tpu.memory_space<vmem>>)
      tpu.yield
    }) : () -> ()
    %dma_start3A = arith.constant 0 : i32
    %dma_start3A_3 = tpu.memref_slice %arg5[%dma_start3A] : memref<6400xi32, #tpu.memory_space<vmem>> -> memref<1600xi32, #tpu.memory_space<vmem>>
    %dma_start3A_4 = arith.constant 0 : i32
    %dma_start3A_5 = arith.constant 0 : i32
    %dma_start3A_6 = tpu.memref_slice %arg2[%dma_start3A_4, %dma_start3A_5] : memref<1000000x32xf32, #tpu.memory_space<hbm>> -> memref<1000000x32xf32, #tpu.memory_space<hbm>>
    tpu.enqueue_indirect_dma source(%dma_start3A_6 : memref<1000000x32xf32, #tpu.memory_space<hbm>>) target(%arg6 : memref<1600x32xf32, #tpu.memory_space<vmem>>) offsets(%dma_start3A_3 : memref<1600xi32, #tpu.memory_space<vmem>>) semaphore(%arg8 : memref<!tpu.dma_semaphore, #tpu.memory_space<semaphore_mem>>)
    %dma_wait3A = arith.constant 0 : i32
    %dma_wait3A_7 = tpu.memref_slice %arg5[%dma_wait3A] : memref<6400xi32, #tpu.memory_space<vmem>> -> memref<1600xi32, #tpu.memory_space<vmem>>
    %dma_wait3A_8 = arith.constant 0 : i32
    %dma_wait3A_9 = arith.constant 0 : i32
    %dma_wait3A_10 = tpu.memref_slice %arg2[%dma_wait3A_8, %dma_wait3A_9] : memref<1000000x32xf32, #tpu.memory_space<hbm>> -> memref<1000000x32xf32, #tpu.memory_space<hbm>>
    tpu.wait_indirect_dma semaphore(%arg8 : memref<!tpu.dma_semaphore, #tpu.memory_space<semaphore_mem>>) src(%dma_wait3A_10 : memref<1000000x32xf32, #tpu.memory_space<hbm>>) dst(%arg6 : memref<1600x32xf32, #tpu.memory_space<vmem>>)
    %dma_start3A_11 = arith.constant 1600 : i32
    %dma_start3A_12 = tpu.memref_slice %arg5[%dma_start3A_11] : memref<6400xi32, #tpu.memory_space<vmem>> -> memref<1600xi32, #tpu.memory_space<vmem>>
    %dma_start3A_13 = arith.constant 0 : i32
    %dma_start3A_14 = arith.constant 0 : i32
    %dma_start3A_15 = tpu.memref_slice %arg2[%dma_start3A_13, %dma_start3A_14] : memref<1000000x32xf32, #tpu.memory_space<hbm>> -> memref<1000000x32xf32, #tpu.memory_space<hbm>>
    tpu.enqueue_indirect_dma source(%dma_start3A_15 : memref<1000000x32xf32, #tpu.memory_space<hbm>>) target(%arg7 : memref<1600x32xf32, #tpu.memory_space<vmem>>) offsets(%dma_start3A_12 : memref<1600xi32, #tpu.memory_space<vmem>>) semaphore(%arg9 : memref<!tpu.dma_semaphore, #tpu.memory_space<semaphore_mem>>)
    %add3A_16 = arith.constant 0 : i32
    %add3A_17 = arith.addi %mul3A_2, %add3A_16 : i32
    %dma_start3A_18 = arith.constant 0 : i32
    %dma_start3A_19 = tpu.memref_slice %arg4[%add3A_17, %dma_start3A_18] : memref<204800x32xf32, #tpu.memory_space<hbm>> -> memref<1600x32xf32, #tpu.memory_space<hbm>>
    %dma_start3A_20 = arith.constant 0 : i32
    %dma_start3A_21 = tpu.memref_slice %arg4[%add3A_17, %dma_start3A_20] : memref<204800x32xf32, #tpu.memory_space<hbm>> -> memref<1600x32xf32, #tpu.memory_space<hbm>>
    tpu.enqueue_dma source(%arg6 : memref<1600x32xf32, #tpu.memory_space<vmem>>) target(%dma_start3A_21 : memref<1600x32xf32, #tpu.memory_space<hbm>>) target_semaphore(%arg10 : memref<!tpu.dma_semaphore, #tpu.memory_space<semaphore_mem>>)
    %dma_wait3A_22 = arith.constant 1600 : i32
    %dma_wait3A_23 = tpu.memref_slice %arg5[%dma_wait3A_22] : memref<6400xi32, #tpu.memory_space<vmem>> -> memref<1600xi32, #tpu.memory_space<vmem>>
    %dma_wait3A_24 = arith.constant 0 : i32
    %dma_wait3A_25 = arith.constant 0 : i32
    %dma_wait3A_26 = tpu.memref_slice %arg2[%dma_wait3A_24, %dma_wait3A_25] : memref<1000000x32xf32, #tpu.memory_space<hbm>> -> memref<1000000x32xf32, #tpu.memory_space<hbm>>
    tpu.wait_indirect_dma semaphore(%arg9 : memref<!tpu.dma_semaphore, #tpu.memory_space<semaphore_mem>>) src(%dma_wait3A_26 : memref<1000000x32xf32, #tpu.memory_space<hbm>>) dst(%arg7 : memref<1600x32xf32, #tpu.memory_space<vmem>>)
    %dma_wait3A_27 = arith.constant 0 : i32
    %dma_wait3A_28 = tpu.memref_slice %arg4[%add3A_17, %dma_wait3A_27] : memref<204800x32xf32, #tpu.memory_space<hbm>> -> memref<1600x32xf32, #tpu.memory_space<hbm>>
    %dma_wait3A_29 = arith.constant 0 : i32
    %dma_wait3A_30 = tpu.memref_slice %arg4[%add3A_17, %dma_wait3A_29] : memref<204800x32xf32, #tpu.memory_space<hbm>> -> memref<1600x32xf32, #tpu.memory_space<hbm>>
    tpu.wait_dma2 semaphore(%arg10 : memref<!tpu.dma_semaphore, #tpu.memory_space<semaphore_mem>>) src(%arg6 : memref<1600x32xf32, #tpu.memory_space<vmem>>) dst(%dma_wait3A_30 : memref<1600x32xf32, #tpu.memory_space<hbm>>)
    %dma_start3A_31 = arith.constant 3200 : i32
    %dma_start3A_32 = tpu.memref_slice %arg5[%dma_start3A_31] : memref<6400xi32, #tpu.memory_space<vmem>> -> memref<1600xi32, #tpu.memory_space<vmem>>
    %dma_start3A_33 = arith.constant 0 : i32
    %dma_start3A_34 = arith.constant 0 : i32
    %dma_start3A_35 = tpu.memref_slice %arg2[%dma_start3A_33, %dma_start3A_34] : memref<1000000x32xf32, #tpu.memory_space<hbm>> -> memref<1000000x32xf32, #tpu.memory_space<hbm>>
    tpu.enqueue_indirect_dma source(%dma_start3A_35 : memref<1000000x32xf32, #tpu.memory_space<hbm>>) target(%arg6 : memref<1600x32xf32, #tpu.memory_space<vmem>>) offsets(%dma_start3A_32 : memref<1600xi32, #tpu.memory_space<vmem>>) semaphore(%arg8 : memref<!tpu.dma_semaphore, #tpu.memory_space<semaphore_mem>>)
    %add3A_36 = arith.constant 1600 : i32
    %add3A_37 = arith.addi %mul3A_2, %add3A_36 : i32
    %dma_start3A_38 = arith.constant 0 : i32
    %dma_start3A_39 = tpu.memref_slice %arg4[%add3A_37, %dma_start3A_38] : memref<204800x32xf32, #tpu.memory_space<hbm>> -> memref<1600x32xf32, #tpu.memory_space<hbm>>
    %dma_start3A_40 = arith.constant 0 : i32
    %dma_start3A_41 = tpu.memref_slice %arg4[%add3A_37, %dma_start3A_40] : memref<204800x32xf32, #tpu.memory_space<hbm>> -> memref<1600x32xf32, #tpu.memory_space<hbm>>
    tpu.enqueue_dma source(%arg7 : memref<1600x32xf32, #tpu.memory_space<vmem>>) target(%dma_start3A_41 : memref<1600x32xf32, #tpu.memory_space<hbm>>) target_semaphore(%arg11 : memref<!tpu.dma_semaphore, #tpu.memory_space<semaphore_mem>>)
    %dma_wait3A_42 = arith.constant 3200 : i32
    %dma_wait3A_43 = tpu.memref_slice %arg5[%dma_wait3A_42] : memref<6400xi32, #tpu.memory_space<vmem>> -> memref<1600xi32, #tpu.memory_space<vmem>>
    %dma_wait3A_44 = arith.constant 0 : i32
    %dma_wait3A_45 = arith.constant 0 : i32
    %dma_wait3A_46 = tpu.memref_slice %arg2[%dma_wait3A_44, %dma_wait3A_45] : memref<1000000x32xf32, #tpu.memory_space<hbm>> -> memref<1000000x32xf32, #tpu.memory_space<hbm>>
    tpu.wait_indirect_dma semaphore(%arg8 : memref<!tpu.dma_semaphore, #tpu.memory_space<semaphore_mem>>) src(%dma_wait3A_46 : memref<1000000x32xf32, #tpu.memory_space<hbm>>) dst(%arg6 : memref<1600x32xf32, #tpu.memory_space<vmem>>)
    %dma_wait3A_47 = arith.constant 0 : i32
    %dma_wait3A_48 = tpu.memref_slice %arg4[%add3A_37, %dma_wait3A_47] : memref<204800x32xf32, #tpu.memory_space<hbm>> -> memref<1600x32xf32, #tpu.memory_space<hbm>>
    %dma_wait3A_49 = arith.constant 0 : i32
    %dma_wait3A_50 = tpu.memref_slice %arg4[%add3A_37, %dma_wait3A_49] : memref<204800x32xf32, #tpu.memory_space<hbm>> -> memref<1600x32xf32, #tpu.memory_space<hbm>>
    tpu.wait_dma2 semaphore(%arg11 : memref<!tpu.dma_semaphore, #tpu.memory_space<semaphore_mem>>) src(%arg7 : memref<1600x32xf32, #tpu.memory_space<vmem>>) dst(%dma_wait3A_50 : memref<1600x32xf32, #tpu.memory_space<hbm>>)
    %dma_start3A_51 = arith.constant 4800 : i32
    %dma_start3A_52 = tpu.memref_slice %arg5[%dma_start3A_51] : memref<6400xi32, #tpu.memory_space<vmem>> -> memref<1600xi32, #tpu.memory_space<vmem>>
    %dma_start3A_53 = arith.constant 0 : i32
    %dma_start3A_54 = arith.constant 0 : i32
    %dma_start3A_55 = tpu.memref_slice %arg2[%dma_start3A_53, %dma_start3A_54] : memref<1000000x32xf32, #tpu.memory_space<hbm>> -> memref<1000000x32xf32, #tpu.memory_space<hbm>>
    tpu.enqueue_indirect_dma source(%dma_start3A_55 : memref<1000000x32xf32, #tpu.memory_space<hbm>>) target(%arg7 : memref<1600x32xf32, #tpu.memory_space<vmem>>) offsets(%dma_start3A_52 : memref<1600xi32, #tpu.memory_space<vmem>>) semaphore(%arg9 : memref<!tpu.dma_semaphore, #tpu.memory_space<semaphore_mem>>)
    %add3A_56 = arith.constant 3200 : i32
    %add3A_57 = arith.addi %mul3A_2, %add3A_56 : i32
    %dma_start3A_58 = arith.constant 0 : i32
    %dma_start3A_59 = tpu.memref_slice %arg4[%add3A_57, %dma_start3A_58] : memref<204800x32xf32, #tpu.memory_space<hbm>> -> memref<1600x32xf32, #tpu.memory_space<hbm>>
    %dma_start3A_60 = arith.constant 0 : i32
    %dma_start3A_61 = tpu.memref_slice %arg4[%add3A_57, %dma_start3A_60] : memref<204800x32xf32, #tpu.memory_space<hbm>> -> memref<1600x32xf32, #tpu.memory_space<hbm>>
    tpu.enqueue_dma source(%arg6 : memref<1600x32xf32, #tpu.memory_space<vmem>>) target(%dma_start3A_61 : memref<1600x32xf32, #tpu.memory_space<hbm>>) target_semaphore(%arg10 : memref<!tpu.dma_semaphore, #tpu.memory_space<semaphore_mem>>)
    %dma_wait3A_62 = arith.constant 4800 : i32
    %dma_wait3A_63 = tpu.memref_slice %arg5[%dma_wait3A_62] : memref<6400xi32, #tpu.memory_space<vmem>> -> memref<1600xi32, #tpu.memory_space<vmem>>
    %dma_wait3A_64 = arith.constant 0 : i32
    %dma_wait3A_65 = arith.constant 0 : i32
    %dma_wait3A_66 = tpu.memref_slice %arg2[%dma_wait3A_64, %dma_wait3A_65] : memref<1000000x32xf32, #tpu.memory_space<hbm>> -> memref<1000000x32xf32, #tpu.memory_space<hbm>>
    tpu.wait_indirect_dma semaphore(%arg9 : memref<!tpu.dma_semaphore, #tpu.memory_space<semaphore_mem>>) src(%dma_wait3A_66 : memref<1000000x32xf32, #tpu.memory_space<hbm>>) dst(%arg7 : memref<1600x32xf32, #tpu.memory_space<vmem>>)
    %add3A_67 = arith.constant 4800 : i32
    %add3A_68 = arith.addi %mul3A_2, %add3A_67 : i32
    %dma_start3A_69 = arith.constant 0 : i32
    %dma_start3A_70 = tpu.memref_slice %arg4[%add3A_68, %dma_start3A_69] : memref<204800x32xf32, #tpu.memory_space<hbm>> -> memref<1600x32xf32, #tpu.memory_space<hbm>>
    %dma_start3A_71 = arith.constant 0 : i32
    %dma_start3A_72 = tpu.memref_slice %arg4[%add3A_68, %dma_start3A_71] : memref<204800x32xf32, #tpu.memory_space<hbm>> -> memref<1600x32xf32, #tpu.memory_space<hbm>>
    tpu.enqueue_dma source(%arg7 : memref<1600x32xf32, #tpu.memory_space<vmem>>) target(%dma_start3A_72 : memref<1600x32xf32, #tpu.memory_space<hbm>>) target_semaphore(%arg11 : memref<!tpu.dma_semaphore, #tpu.memory_space<semaphore_mem>>)
    %dma_wait3A_73 = arith.constant 0 : i32
    %dma_wait3A_74 = tpu.memref_slice %arg4[%add3A_57, %dma_wait3A_73] : memref<204800x32xf32, #tpu.memory_space<hbm>> -> memref<1600x32xf32, #tpu.memory_space<hbm>>
    %dma_wait3A_75 = arith.constant 0 : i32
    %dma_wait3A_76 = tpu.memref_slice %arg4[%add3A_57, %dma_wait3A_75] : memref<204800x32xf32, #tpu.memory_space<hbm>> -> memref<1600x32xf32, #tpu.memory_space<hbm>>
    tpu.wait_dma2 semaphore(%arg10 : memref<!tpu.dma_semaphore, #tpu.memory_space<semaphore_mem>>) src(%arg6 : memref<1600x32xf32, #tpu.memory_space<vmem>>) dst(%dma_wait3A_76 : memref<1600x32xf32, #tpu.memory_space<hbm>>)
    %dma_wait3A_77 = arith.constant 0 : i32
    %dma_wait3A_78 = tpu.memref_slice %arg4[%add3A_68, %dma_wait3A_77] : memref<204800x32xf32, #tpu.memory_space<hbm>> -> memref<1600x32xf32, #tpu.memory_space<hbm>>
    %dma_wait3A_79 = arith.constant 0 : i32
    %dma_wait3A_80 = tpu.memref_slice %arg4[%add3A_68, %dma_wait3A_79] : memref<204800x32xf32, #tpu.memory_space<hbm>> -> memref<1600x32xf32, #tpu.memory_space<hbm>>
    tpu.wait_dma2 semaphore(%arg11 : memref<!tpu.dma_semaphore, #tpu.memory_space<semaphore_mem>>) src(%arg7 : memref<1600x32xf32, #tpu.memory_space<vmem>>) dst(%dma_wait3A_80 : memref<1600x32xf32, #tpu.memory_space<hbm>>)
    return
  }
}

#map = affine_map<(d0, d1) -> (0, 0)>
#map1 = affine_map<(d0, d1) -> (0)>
module attributes {stable_mosaic.version = 14 : i64} {
  func.func @gather_kernel(%arg0: i32, %arg1: i32, %arg2: memref<1000000x32xf32, #tpu.memory_space<hbm>>, %arg3: memref<204800xi32, #tpu.memory_space<hbm>>, %arg4: memref<204800x32xf32, #tpu.memory_space<hbm>>, %arg5: memref<6400xi32, #tpu.memory_space<vmem>>, %arg6: memref<1600x32xf32, #tpu.memory_space<vmem>>, %arg7: memref<1600x32xf32, #tpu.memory_space<vmem>>, %arg8: memref<!tpu.dma_semaphore, #tpu.memory_space<semaphore_mem>>, %arg9: memref<!tpu.dma_semaphore, #tpu.memory_space<semaphore_mem>>, %arg10: memref<!tpu.dma_semaphore, #tpu.memory_space<semaphore_mem>>, %arg11: memref<!tpu.dma_semaphore, #tpu.memory_space<semaphore_mem>>) attributes {dimension_semantics = [#tpu.dimension_semantics<core_parallel>, #tpu.dimension_semantics<subcore_parallel>], iteration_bounds = array<i64: 2, 16>, scalar_prefetch = 0 : i64, scratch_operands = 7 : i64, tpu.core_type = #tpu.core_type<sc_vector_subcore>, window_params = [{transform_indices = #map}, {transform_indices = #map1}, {transform_indices = #map}]} {
    %mul3A = arith.constant 2 : i32
    %mul3A_0 = arith.muli %arg1, %mul3A : i32
    %add3A = arith.addi %mul3A_0, %arg0 : i32
    %mul3A_1 = arith.constant 6400 : i32
    %mul3A_2 = arith.muli %add3A, %mul3A_1 : i32
    "tpu.region"() ({
      %run_scoped3A = tpu.sem_alloc : memref<!tpu.dma_semaphore, #tpu.memory_space<semaphore_mem>>
      %dma_start3A_81 = tpu.memref_slice %arg3[%mul3A_2] : memref<204800xi32, #tpu.memory_space<hbm>> -> memref<6400xi32, #tpu.memory_space<hbm>>
      %dma_start3A_82 = tpu.memref_slice %arg3[%mul3A_2] : memref<204800xi32, #tpu.memory_space<hbm>> -> memref<6400xi32, #tpu.memory_space<hbm>>
      tpu.enqueue_dma source(%dma_start3A_82 : memref<6400xi32, #tpu.memory_space<hbm>>) target(%arg5 : memref<6400xi32, #tpu.memory_space<vmem>>) target_semaphore(%run_scoped3A : memref<!tpu.dma_semaphore, #tpu.memory_space<semaphore_mem>>)
      %dma_wait3A_83 = tpu.memref_slice %arg3[%mul3A_2] : memref<204800xi32, #tpu.memory_space<hbm>> -> memref<6400xi32, #tpu.memory_space<hbm>>
      %dma_wait3A_84 = tpu.memref_slice %arg3[%mul3A_2] : memref<204800xi32, #tpu.memory_space<hbm>> -> memref<6400xi32, #tpu.memory_space<hbm>>
      tpu.wait_dma2 semaphore(%run_scoped3A : memref<!tpu.dma_semaphore, #tpu.memory_space<semaphore_mem>>) src(%dma_wait3A_84 : memref<6400xi32, #tpu.memory_space<hbm>>) dst(%arg5 : memref<6400xi32, #tpu.memory_space<vmem>>)
      tpu.yield
    }) : () -> ()
    %dma_start3A = arith.constant 0 : i32
    %dma_start3A_3 = tpu.memref_slice %arg5[%dma_start3A] : memref<6400xi32, #tpu.memory_space<vmem>> -> memref<1600xi32, #tpu.memory_space<vmem>>
    %dma_start3A_4 = arith.constant 0 : i32
    %dma_start3A_5 = arith.constant 0 : i32
    %dma_start3A_6 = tpu.memref_slice %arg2[%dma_start3A_4, %dma_start3A_5] : memref<1000000x32xf32, #tpu.memory_space<hbm>> -> memref<1000000x32xf32, #tpu.memory_space<hbm>>
    tpu.enqueue_indirect_dma source(%dma_start3A_6 : memref<1000000x32xf32, #tpu.memory_space<hbm>>) target(%arg6 : memref<1600x32xf32, #tpu.memory_space<vmem>>) offsets(%dma_start3A_3 : memref<1600xi32, #tpu.memory_space<vmem>>) semaphore(%arg8 : memref<!tpu.dma_semaphore, #tpu.memory_space<semaphore_mem>>)
    %dma_wait3A = arith.constant 0 : i32
    %dma_wait3A_7 = tpu.memref_slice %arg5[%dma_wait3A] : memref<6400xi32, #tpu.memory_space<vmem>> -> memref<1600xi32, #tpu.memory_space<vmem>>
    %dma_wait3A_8 = arith.constant 0 : i32
    %dma_wait3A_9 = arith.constant 0 : i32
    %dma_wait3A_10 = tpu.memref_slice %arg2[%dma_wait3A_8, %dma_wait3A_9] : memref<1000000x32xf32, #tpu.memory_space<hbm>> -> memref<1000000x32xf32, #tpu.memory_space<hbm>>
    tpu.wait_indirect_dma semaphore(%arg8 : memref<!tpu.dma_semaphore, #tpu.memory_space<semaphore_mem>>) src(%dma_wait3A_10 : memref<1000000x32xf32, #tpu.memory_space<hbm>>) dst(%arg6 : memref<1600x32xf32, #tpu.memory_space<vmem>>)
    %dma_start3A_11 = arith.constant 1600 : i32
    %dma_start3A_12 = tpu.memref_slice %arg5[%dma_start3A_11] : memref<6400xi32, #tpu.memory_space<vmem>> -> memref<1600xi32, #tpu.memory_space<vmem>>
    %dma_start3A_13 = arith.constant 0 : i32
    %dma_start3A_14 = arith.constant 0 : i32
    %dma_start3A_15 = tpu.memref_slice %arg2[%dma_start3A_13, %dma_start3A_14] : memref<1000000x32xf32, #tpu.memory_space<hbm>> -> memref<1000000x32xf32, #tpu.memory_space<hbm>>
    tpu.enqueue_indirect_dma source(%dma_start3A_15 : memref<1000000x32xf32, #tpu.memory_space<hbm>>) target(%arg7 : memref<1600x32xf32, #tpu.memory_space<vmem>>) offsets(%dma_start3A_12 : memref<1600xi32, #tpu.memory_space<vmem>>) semaphore(%arg9 : memref<!tpu.dma_semaphore, #tpu.memory_space<semaphore_mem>>)
    %add3A_16 = arith.constant 0 : i32
    %add3A_17 = arith.addi %mul3A_2, %add3A_16 : i32
    %dma_start3A_18 = arith.constant 0 : i32
    %dma_start3A_19 = tpu.memref_slice %arg4[%add3A_17, %dma_start3A_18] : memref<204800x32xf32, #tpu.memory_space<hbm>> -> memref<1600x32xf32, #tpu.memory_space<hbm>>
    %dma_start3A_20 = arith.constant 0 : i32
    %dma_start3A_21 = tpu.memref_slice %arg4[%add3A_17, %dma_start3A_20] : memref<204800x32xf32, #tpu.memory_space<hbm>> -> memref<1600x32xf32, #tpu.memory_space<hbm>>
    tpu.enqueue_dma source(%arg6 : memref<1600x32xf32, #tpu.memory_space<vmem>>) target(%dma_start3A_21 : memref<1600x32xf32, #tpu.memory_space<hbm>>) target_semaphore(%arg10 : memref<!tpu.dma_semaphore, #tpu.memory_space<semaphore_mem>>)
    %dma_wait3A_22 = arith.constant 1600 : i32
    %dma_wait3A_23 = tpu.memref_slice %arg5[%dma_wait3A_22] : memref<6400xi32, #tpu.memory_space<vmem>> -> memref<1600xi32, #tpu.memory_space<vmem>>
    %dma_wait3A_24 = arith.constant 0 : i32
    %dma_wait3A_25 = arith.constant 0 : i32
    %dma_wait3A_26 = tpu.memref_slice %arg2[%dma_wait3A_24, %dma_wait3A_25] : memref<1000000x32xf32, #tpu.memory_space<hbm>> -> memref<1000000x32xf32, #tpu.memory_space<hbm>>
    tpu.wait_indirect_dma semaphore(%arg9 : memref<!tpu.dma_semaphore, #tpu.memory_space<semaphore_mem>>) src(%dma_wait3A_26 : memref<1000000x32xf32, #tpu.memory_space<hbm>>) dst(%arg7 : memref<1600x32xf32, #tpu.memory_space<vmem>>)
    %dma_wait3A_27 = arith.constant 0 : i32
    %dma_wait3A_28 = tpu.memref_slice %arg4[%add3A_17, %dma_wait3A_27] : memref<204800x32xf32, #tpu.memory_space<hbm>> -> memref<1600x32xf32, #tpu.memory_space<hbm>>
    %dma_wait3A_29 = arith.constant 0 : i32
    %dma_wait3A_30 = tpu.memref_slice %arg4[%add3A_17, %dma_wait3A_29] : memref<204800x32xf32, #tpu.memory_space<hbm>> -> memref<1600x32xf32, #tpu.memory_space<hbm>>
    tpu.wait_dma2 semaphore(%arg10 : memref<!tpu.dma_semaphore, #tpu.memory_space<semaphore_mem>>) src(%arg6 : memref<1600x32xf32, #tpu.memory_space<vmem>>) dst(%dma_wait3A_30 : memref<1600x32xf32, #tpu.memory_space<hbm>>)
    %dma_start3A_31 = arith.constant 3200 : i32
    %dma_start3A_32 = tpu.memref_slice %arg5[%dma_start3A_31] : memref<6400xi32, #tpu.memory_space<vmem>> -> memref<1600xi32, #tpu.memory_space<vmem>>
    %dma_start3A_33 = arith.constant 0 : i32
    %dma_start3A_34 = arith.constant 0 : i32
    %dma_start3A_35 = tpu.memref_slice %arg2[%dma_start3A_33, %dma_start3A_34] : memref<1000000x32xf32, #tpu.memory_space<hbm>> -> memref<1000000x32xf32, #tpu.memory_space<hbm>>
    tpu.enqueue_indirect_dma source(%dma_start3A_35 : memref<1000000x32xf32, #tpu.memory_space<hbm>>) target(%arg6 : memref<1600x32xf32, #tpu.memory_space<vmem>>) offsets(%dma_start3A_32 : memref<1600xi32, #tpu.memory_space<vmem>>) semaphore(%arg8 : memref<!tpu.dma_semaphore, #tpu.memory_space<semaphore_mem>>)
    %add3A_36 = arith.constant 1600 : i32
    %add3A_37 = arith.addi %mul3A_2, %add3A_36 : i32
    %dma_start3A_38 = arith.constant 0 : i32
    %dma_start3A_39 = tpu.memref_slice %arg4[%add3A_37, %dma_start3A_38] : memref<204800x32xf32, #tpu.memory_space<hbm>> -> memref<1600x32xf32, #tpu.memory_space<hbm>>
    %dma_start3A_40 = arith.constant 0 : i32
    %dma_start3A_41 = tpu.memref_slice %arg4[%add3A_37, %dma_start3A_40] : memref<204800x32xf32, #tpu.memory_space<hbm>> -> memref<1600x32xf32, #tpu.memory_space<hbm>>
    tpu.enqueue_dma source(%arg7 : memref<1600x32xf32, #tpu.memory_space<vmem>>) target(%dma_start3A_41 : memref<1600x32xf32, #tpu.memory_space<hbm>>) target_semaphore(%arg11 : memref<!tpu.dma_semaphore, #tpu.memory_space<semaphore_mem>>)
    %dma_wait3A_42 = arith.constant 3200 : i32
    %dma_wait3A_43 = tpu.memref_slice %arg5[%dma_wait3A_42] : memref<6400xi32, #tpu.memory_space<vmem>> -> memref<1600xi32, #tpu.memory_space<vmem>>
    %dma_wait3A_44 = arith.constant 0 : i32
    %dma_wait3A_45 = arith.constant 0 : i32
    %dma_wait3A_46 = tpu.memref_slice %arg2[%dma_wait3A_44, %dma_wait3A_45] : memref<1000000x32xf32, #tpu.memory_space<hbm>> -> memref<1000000x32xf32, #tpu.memory_space<hbm>>
    tpu.wait_indirect_dma semaphore(%arg8 : memref<!tpu.dma_semaphore, #tpu.memory_space<semaphore_mem>>) src(%dma_wait3A_46 : memref<1000000x32xf32, #tpu.memory_space<hbm>>) dst(%arg6 : memref<1600x32xf32, #tpu.memory_space<vmem>>)
    %dma_wait3A_47 = arith.constant 0 : i32
    %dma_wait3A_48 = tpu.memref_slice %arg4[%add3A_37, %dma_wait3A_47] : memref<204800x32xf32, #tpu.memory_space<hbm>> -> memref<1600x32xf32, #tpu.memory_space<hbm>>
    %dma_wait3A_49 = arith.constant 0 : i32
    %dma_wait3A_50 = tpu.memref_slice %arg4[%add3A_37, %dma_wait3A_49] : memref<204800x32xf32, #tpu.memory_space<hbm>> -> memref<1600x32xf32, #tpu.memory_space<hbm>>
    tpu.wait_dma2 semaphore(%arg11 : memref<!tpu.dma_semaphore, #tpu.memory_space<semaphore_mem>>) src(%arg7 : memref<1600x32xf32, #tpu.memory_space<vmem>>) dst(%dma_wait3A_50 : memref<1600x32xf32, #tpu.memory_space<hbm>>)
    %dma_start3A_51 = arith.constant 4800 : i32
    %dma_start3A_52 = tpu.memref_slice %arg5[%dma_start3A_51] : memref<6400xi32, #tpu.memory_space<vmem>> -> memref<1600xi32, #tpu.memory_space<vmem>>
    %dma_start3A_53 = arith.constant 0 : i32
    %dma_start3A_54 = arith.constant 0 : i32
    %dma_start3A_55 = tpu.memref_slice %arg2[%dma_start3A_53, %dma_start3A_54] : memref<1000000x32xf32, #tpu.memory_space<hbm>> -> memref<1000000x32xf32, #tpu.memory_space<hbm>>
    tpu.enqueue_indirect_dma source(%dma_start3A_55 : memref<1000000x32xf32, #tpu.memory_space<hbm>>) target(%arg7 : memref<1600x32xf32, #tpu.memory_space<vmem>>) offsets(%dma_start3A_52 : memref<1600xi32, #tpu.memory_space<vmem>>) semaphore(%arg9 : memref<!tpu.dma_semaphore, #tpu.memory_space<semaphore_mem>>)
    %add3A_56 = arith.constant 3200 : i32
    %add3A_57 = arith.addi %mul3A_2, %add3A_56 : i32
    %dma_start3A_58 = arith.constant 0 : i32
    %dma_start3A_59 = tpu.memref_slice %arg4[%add3A_57, %dma_start3A_58] : memref<204800x32xf32, #tpu.memory_space<hbm>> -> memref<1600x32xf32, #tpu.memory_space<hbm>>
    %dma_start3A_60 = arith.constant 0 : i32
    %dma_start3A_61 = tpu.memref_slice %arg4[%add3A_57, %dma_start3A_60] : memref<204800x32xf32, #tpu.memory_space<hbm>> -> memref<1600x32xf32, #tpu.memory_space<hbm>>
    tpu.enqueue_dma source(%arg6 : memref<1600x32xf32, #tpu.memory_space<vmem>>) target(%dma_start3A_61 : memref<1600x32xf32, #tpu.memory_space<hbm>>) target_semaphore(%arg10 : memref<!tpu.dma_semaphore, #tpu.memory_space<semaphore_mem>>)
    %dma_wait3A_62 = arith.constant 4800 : i32
    %dma_wait3A_63 = tpu.memref_slice %arg5[%dma_wait3A_62] : memref<6400xi32, #tpu.memory_space<vmem>> -> memref<1600xi32, #tpu.memory_space<vmem>>
    %dma_wait3A_64 = arith.constant 0 : i32
    %dma_wait3A_65 = arith.constant 0 : i32
    %dma_wait3A_66 = tpu.memref_slice %arg2[%dma_wait3A_64, %dma_wait3A_65] : memref<1000000x32xf32, #tpu.memory_space<hbm>> -> memref<1000000x32xf32, #tpu.memory_space<hbm>>
    tpu.wait_indirect_dma semaphore(%arg9 : memref<!tpu.dma_semaphore, #tpu.memory_space<semaphore_mem>>) src(%dma_wait3A_66 : memref<1000000x32xf32, #tpu.memory_space<hbm>>) dst(%arg7 : memref<1600x32xf32, #tpu.memory_space<vmem>>)
    %add3A_67 = arith.constant 4800 : i32
    %add3A_68 = arith.addi %mul3A_2, %add3A_67 : i32
    %dma_start3A_69 = arith.constant 0 : i32
    %dma_start3A_70 = tpu.memref_slice %arg4[%add3A_68, %dma_start3A_69] : memref<204800x32xf32, #tpu.memory_space<hbm>> -> memref<1600x32xf32, #tpu.memory_space<hbm>>
    %dma_start3A_71 = arith.constant 0 : i32
    %dma_start3A_72 = tpu.memref_slice %arg4[%add3A_68, %dma_start3A_71] : memref<204800x32xf32, #tpu.memory_space<hbm>> -> memref<1600x32xf32, #tpu.memory_space<hbm>>
    tpu.enqueue_dma source(%arg7 : memref<1600x32xf32, #tpu.memory_space<vmem>>) target(%dma_start3A_72 : memref<1600x32xf32, #tpu.memory_space<hbm>>) target_semaphore(%arg11 : memref<!tpu.dma_semaphore, #tpu.memory_space<semaphore_mem>>)
    %dma_wait3A_73 = arith.constant 0 : i32
    %dma_wait3A_74 = tpu.memref_slice %arg4[%add3A_57, %dma_wait3A_73] : memref<204800x32xf32, #tpu.memory_space<hbm>> -> memref<1600x32xf32, #tpu.memory_space<hbm>>
    %dma_wait3A_75 = arith.constant 0 : i32
    %dma_wait3A_76 = tpu.memref_slice %arg4[%add3A_57, %dma_wait3A_75] : memref<204800x32xf32, #tpu.memory_space<hbm>> -> memref<1600x32xf32, #tpu.memory_space<hbm>>
    tpu.wait_dma2 semaphore(%arg10 : memref<!tpu.dma_semaphore, #tpu.memory_space<semaphore_mem>>) src(%arg6 : memref<1600x32xf32, #tpu.memory_space<vmem>>) dst(%dma_wait3A_76 : memref<1600x32xf32, #tpu.memory_space<hbm>>)
    %dma_wait3A_77 = arith.constant 0 : i32
    %dma_wait3A_78 = tpu.memref_slice %arg4[%add3A_68, %dma_wait3A_77] : memref<204800x32xf32, #tpu.memory_space<hbm>> -> memref<1600x32xf32, #tpu.memory_space<hbm>>
    %dma_wait3A_79 = arith.constant 0 : i32
    %dma_wait3A_80 = tpu.memref_slice %arg4[%add3A_68, %dma_wait3A_79] : memref<204800x32xf32, #tpu.memory_space<hbm>> -> memref<1600x32xf32, #tpu.memory_space<hbm>>
    tpu.wait_dma2 semaphore(%arg11 : memref<!tpu.dma_semaphore, #tpu.memory_space<semaphore_mem>>) src(%arg7 : memref<1600x32xf32, #tpu.memory_space<vmem>>) dst(%dma_wait3A_80 : memref<1600x32xf32, #tpu.memory_space<hbm>>)
    return
  }
}

#map = affine_map<(d0, d1) -> (0, 0)>
#map1 = affine_map<(d0, d1) -> (0)>
module attributes {stable_mosaic.version = 14 : i64} {
  func.func @gather_kernel(%arg0: i32, %arg1: i32, %arg2: memref<1000000x32xf32, #tpu.memory_space<hbm>>, %arg3: memref<204800xi32, #tpu.memory_space<hbm>>, %arg4: memref<204800x32xf32, #tpu.memory_space<hbm>>, %arg5: memref<6400xi32, #tpu.memory_space<vmem>>, %arg6: memref<1600x32xf32, #tpu.memory_space<vmem>>, %arg7: memref<1600x32xf32, #tpu.memory_space<vmem>>, %arg8: memref<!tpu.dma_semaphore, #tpu.memory_space<semaphore_mem>>, %arg9: memref<!tpu.dma_semaphore, #tpu.memory_space<semaphore_mem>>, %arg10: memref<!tpu.dma_semaphore, #tpu.memory_space<semaphore_mem>>, %arg11: memref<!tpu.dma_semaphore, #tpu.memory_space<semaphore_mem>>) attributes {dimension_semantics = [#tpu.dimension_semantics<core_parallel>, #tpu.dimension_semantics<subcore_parallel>], iteration_bounds = array<i64: 2, 16>, scalar_prefetch = 0 : i64, scratch_operands = 7 : i64, tpu.core_type = #tpu.core_type<sc_vector_subcore>, window_params = [{transform_indices = #map}, {transform_indices = #map1}, {transform_indices = #map}]} {
    %mul3A = arith.constant 2 : i32
    %mul3A_0 = arith.muli %arg1, %mul3A : i32
    %add3A = arith.addi %mul3A_0, %arg0 : i32
    %mul3A_1 = arith.constant 6400 : i32
    %mul3A_2 = arith.muli %add3A, %mul3A_1 : i32
    "tpu.region"() ({
      %run_scoped3A = tpu.sem_alloc : memref<!tpu.dma_semaphore, #tpu.memory_space<semaphore_mem>>
      %dma_start3A_81 = tpu.memref_slice %arg3[%mul3A_2] : memref<204800xi32, #tpu.memory_space<hbm>> -> memref<6400xi32, #tpu.memory_space<hbm>>
      %dma_start3A_82 = tpu.memref_slice %arg3[%mul3A_2] : memref<204800xi32, #tpu.memory_space<hbm>> -> memref<6400xi32, #tpu.memory_space<hbm>>
      tpu.enqueue_dma source(%dma_start3A_82 : memref<6400xi32, #tpu.memory_space<hbm>>) target(%arg5 : memref<6400xi32, #tpu.memory_space<vmem>>) target_semaphore(%run_scoped3A : memref<!tpu.dma_semaphore, #tpu.memory_space<semaphore_mem>>)
      %dma_wait3A_83 = tpu.memref_slice %arg3[%mul3A_2] : memref<204800xi32, #tpu.memory_space<hbm>> -> memref<6400xi32, #tpu.memory_space<hbm>>
      %dma_wait3A_84 = tpu.memref_slice %arg3[%mul3A_2] : memref<204800xi32, #tpu.memory_space<hbm>> -> memref<6400xi32, #tpu.memory_space<hbm>>
      tpu.wait_dma2 semaphore(%run_scoped3A : memref<!tpu.dma_semaphore, #tpu.memory_space<semaphore_mem>>) src(%dma_wait3A_84 : memref<6400xi32, #tpu.memory_space<hbm>>) dst(%arg5 : memref<6400xi32, #tpu.memory_space<vmem>>)
      tpu.yield
    }) : () -> ()
    %dma_start3A = arith.constant 0 : i32
    %dma_start3A_3 = tpu.memref_slice %arg5[%dma_start3A] : memref<6400xi32, #tpu.memory_space<vmem>> -> memref<1600xi32, #tpu.memory_space<vmem>>
    %dma_start3A_4 = arith.constant 0 : i32
    %dma_start3A_5 = arith.constant 0 : i32
    %dma_start3A_6 = tpu.memref_slice %arg2[%dma_start3A_4, %dma_start3A_5] : memref<1000000x32xf32, #tpu.memory_space<hbm>> -> memref<1000000x32xf32, #tpu.memory_space<hbm>>
    tpu.enqueue_indirect_dma source(%dma_start3A_6 : memref<1000000x32xf32, #tpu.memory_space<hbm>>) target(%arg6 : memref<1600x32xf32, #tpu.memory_space<vmem>>) offsets(%dma_start3A_3 : memref<1600xi32, #tpu.memory_space<vmem>>) semaphore(%arg8 : memref<!tpu.dma_semaphore, #tpu.memory_space<semaphore_mem>>)
    %dma_wait3A = arith.constant 0 : i32
    %dma_wait3A_7 = tpu.memref_slice %arg5[%dma_wait3A] : memref<6400xi32, #tpu.memory_space<vmem>> -> memref<1600xi32, #tpu.memory_space<vmem>>
    %dma_wait3A_8 = arith.constant 0 : i32
    %dma_wait3A_9 = arith.constant 0 : i32
    %dma_wait3A_10 = tpu.memref_slice %arg2[%dma_wait3A_8, %dma_wait3A_9] : memref<1000000x32xf32, #tpu.memory_space<hbm>> -> memref<1000000x32xf32, #tpu.memory_space<hbm>>
    tpu.wait_indirect_dma semaphore(%arg8 : memref<!tpu.dma_semaphore, #tpu.memory_space<semaphore_mem>>) src(%dma_wait3A_10 : memref<1000000x32xf32, #tpu.memory_space<hbm>>) dst(%arg6 : memref<1600x32xf32, #tpu.memory_space<vmem>>)
    %dma_start3A_11 = arith.constant 1600 : i32
    %dma_start3A_12 = tpu.memref_slice %arg5[%dma_start3A_11] : memref<6400xi32, #tpu.memory_space<vmem>> -> memref<1600xi32, #tpu.memory_space<vmem>>
    %dma_start3A_13 = arith.constant 0 : i32
    %dma_start3A_14 = arith.constant 0 : i32
    %dma_start3A_15 = tpu.memref_slice %arg2[%dma_start3A_13, %dma_start3A_14] : memref<1000000x32xf32, #tpu.memory_space<hbm>> -> memref<1000000x32xf32, #tpu.memory_space<hbm>>
    tpu.enqueue_indirect_dma source(%dma_start3A_15 : memref<1000000x32xf32, #tpu.memory_space<hbm>>) target(%arg7 : memref<1600x32xf32, #tpu.memory_space<vmem>>) offsets(%dma_start3A_12 : memref<1600xi32, #tpu.memory_space<vmem>>) semaphore(%arg9 : memref<!tpu.dma_semaphore, #tpu.memory_space<semaphore_mem>>)
    %add3A_16 = arith.constant 0 : i32
    %add3A_17 = arith.addi %mul3A_2, %add3A_16 : i32
    %dma_start3A_18 = arith.constant 0 : i32
    %dma_start3A_19 = tpu.memref_slice %arg4[%add3A_17, %dma_start3A_18] : memref<204800x32xf32, #tpu.memory_space<hbm>> -> memref<1600x32xf32, #tpu.memory_space<hbm>>
    %dma_start3A_20 = arith.constant 0 : i32
    %dma_start3A_21 = tpu.memref_slice %arg4[%add3A_17, %dma_start3A_20] : memref<204800x32xf32, #tpu.memory_space<hbm>> -> memref<1600x32xf32, #tpu.memory_space<hbm>>
    tpu.enqueue_dma source(%arg6 : memref<1600x32xf32, #tpu.memory_space<vmem>>) target(%dma_start3A_21 : memref<1600x32xf32, #tpu.memory_space<hbm>>) target_semaphore(%arg10 : memref<!tpu.dma_semaphore, #tpu.memory_space<semaphore_mem>>)
    %dma_wait3A_22 = arith.constant 1600 : i32
    %dma_wait3A_23 = tpu.memref_slice %arg5[%dma_wait3A_22] : memref<6400xi32, #tpu.memory_space<vmem>> -> memref<1600xi32, #tpu.memory_space<vmem>>
    %dma_wait3A_24 = arith.constant 0 : i32
    %dma_wait3A_25 = arith.constant 0 : i32
    %dma_wait3A_26 = tpu.memref_slice %arg2[%dma_wait3A_24, %dma_wait3A_25] : memref<1000000x32xf32, #tpu.memory_space<hbm>> -> memref<1000000x32xf32, #tpu.memory_space<hbm>>
    tpu.wait_indirect_dma semaphore(%arg9 : memref<!tpu.dma_semaphore, #tpu.memory_space<semaphore_mem>>) src(%dma_wait3A_26 : memref<1000000x32xf32, #tpu.memory_space<hbm>>) dst(%arg7 : memref<1600x32xf32, #tpu.memory_space<vmem>>)
    %dma_wait3A_27 = arith.constant 0 : i32
    %dma_wait3A_28 = tpu.memref_slice %arg4[%add3A_17, %dma_wait3A_27] : memref<204800x32xf32, #tpu.memory_space<hbm>> -> memref<1600x32xf32, #tpu.memory_space<hbm>>
    %dma_wait3A_29 = arith.constant 0 : i32
    %dma_wait3A_30 = tpu.memref_slice %arg4[%add3A_17, %dma_wait3A_29] : memref<204800x32xf32, #tpu.memory_space<hbm>> -> memref<1600x32xf32, #tpu.memory_space<hbm>>
    tpu.wait_dma2 semaphore(%arg10 : memref<!tpu.dma_semaphore, #tpu.memory_space<semaphore_mem>>) src(%arg6 : memref<1600x32xf32, #tpu.memory_space<vmem>>) dst(%dma_wait3A_30 : memref<1600x32xf32, #tpu.memory_space<hbm>>)
    %dma_start3A_31 = arith.constant 3200 : i32
    %dma_start3A_32 = tpu.memref_slice %arg5[%dma_start3A_31] : memref<6400xi32, #tpu.memory_space<vmem>> -> memref<1600xi32, #tpu.memory_space<vmem>>
    %dma_start3A_33 = arith.constant 0 : i32
    %dma_start3A_34 = arith.constant 0 : i32
    %dma_start3A_35 = tpu.memref_slice %arg2[%dma_start3A_33, %dma_start3A_34] : memref<1000000x32xf32, #tpu.memory_space<hbm>> -> memref<1000000x32xf32, #tpu.memory_space<hbm>>
    tpu.enqueue_indirect_dma source(%dma_start3A_35 : memref<1000000x32xf32, #tpu.memory_space<hbm>>) target(%arg6 : memref<1600x32xf32, #tpu.memory_space<vmem>>) offsets(%dma_start3A_32 : memref<1600xi32, #tpu.memory_space<vmem>>) semaphore(%arg8 : memref<!tpu.dma_semaphore, #tpu.memory_space<semaphore_mem>>)
    %add3A_36 = arith.constant 1600 : i32
    %add3A_37 = arith.addi %mul3A_2, %add3A_36 : i32
    %dma_start3A_38 = arith.constant 0 : i32
    %dma_start3A_39 = tpu.memref_slice %arg4[%add3A_37, %dma_start3A_38] : memref<204800x32xf32, #tpu.memory_space<hbm>> -> memref<1600x32xf32, #tpu.memory_space<hbm>>
    %dma_start3A_40 = arith.constant 0 : i32
    %dma_start3A_41 = tpu.memref_slice %arg4[%add3A_37, %dma_start3A_40] : memref<204800x32xf32, #tpu.memory_space<hbm>> -> memref<1600x32xf32, #tpu.memory_space<hbm>>
    tpu.enqueue_dma source(%arg7 : memref<1600x32xf32, #tpu.memory_space<vmem>>) target(%dma_start3A_41 : memref<1600x32xf32, #tpu.memory_space<hbm>>) target_semaphore(%arg11 : memref<!tpu.dma_semaphore, #tpu.memory_space<semaphore_mem>>)
    %dma_wait3A_42 = arith.constant 3200 : i32
    %dma_wait3A_43 = tpu.memref_slice %arg5[%dma_wait3A_42] : memref<6400xi32, #tpu.memory_space<vmem>> -> memref<1600xi32, #tpu.memory_space<vmem>>
    %dma_wait3A_44 = arith.constant 0 : i32
    %dma_wait3A_45 = arith.constant 0 : i32
    %dma_wait3A_46 = tpu.memref_slice %arg2[%dma_wait3A_44, %dma_wait3A_45] : memref<1000000x32xf32, #tpu.memory_space<hbm>> -> memref<1000000x32xf32, #tpu.memory_space<hbm>>
    tpu.wait_indirect_dma semaphore(%arg8 : memref<!tpu.dma_semaphore, #tpu.memory_space<semaphore_mem>>) src(%dma_wait3A_46 : memref<1000000x32xf32, #tpu.memory_space<hbm>>) dst(%arg6 : memref<1600x32xf32, #tpu.memory_space<vmem>>)
    %dma_wait3A_47 = arith.constant 0 : i32
    %dma_wait3A_48 = tpu.memref_slice %arg4[%add3A_37, %dma_wait3A_47] : memref<204800x32xf32, #tpu.memory_space<hbm>> -> memref<1600x32xf32, #tpu.memory_space<hbm>>
    %dma_wait3A_49 = arith.constant 0 : i32
    %dma_wait3A_50 = tpu.memref_slice %arg4[%add3A_37, %dma_wait3A_49] : memref<204800x32xf32, #tpu.memory_space<hbm>> -> memref<1600x32xf32, #tpu.memory_space<hbm>>
    tpu.wait_dma2 semaphore(%arg11 : memref<!tpu.dma_semaphore, #tpu.memory_space<semaphore_mem>>) src(%arg7 : memref<1600x32xf32, #tpu.memory_space<vmem>>) dst(%dma_wait3A_50 : memref<1600x32xf32, #tpu.memory_space<hbm>>)
    %dma_start3A_51 = arith.constant 4800 : i32
    %dma_start3A_52 = tpu.memref_slice %arg5[%dma_start3A_51] : memref<6400xi32, #tpu.memory_space<vmem>> -> memref<1600xi32, #tpu.memory_space<vmem>>
    %dma_start3A_53 = arith.constant 0 : i32
    %dma_start3A_54 = arith.constant 0 : i32
    %dma_start3A_55 = tpu.memref_slice %arg2[%dma_start3A_53, %dma_start3A_54] : memref<1000000x32xf32, #tpu.memory_space<hbm>> -> memref<1000000x32xf32, #tpu.memory_space<hbm>>
    tpu.enqueue_indirect_dma source(%dma_start3A_55 : memref<1000000x32xf32, #tpu.memory_space<hbm>>) target(%arg7 : memref<1600x32xf32, #tpu.memory_space<vmem>>) offsets(%dma_start3A_52 : memref<1600xi32, #tpu.memory_space<vmem>>) semaphore(%arg9 : memref<!tpu.dma_semaphore, #tpu.memory_space<semaphore_mem>>)
    %add3A_56 = arith.constant 3200 : i32
    %add3A_57 = arith.addi %mul3A_2, %add3A_56 : i32
    %dma_start3A_58 = arith.constant 0 : i32
    %dma_start3A_59 = tpu.memref_slice %arg4[%add3A_57, %dma_start3A_58] : memref<204800x32xf32, #tpu.memory_space<hbm>> -> memref<1600x32xf32, #tpu.memory_space<hbm>>
    %dma_start3A_60 = arith.constant 0 : i32
    %dma_start3A_61 = tpu.memref_slice %arg4[%add3A_57, %dma_start3A_60] : memref<204800x32xf32, #tpu.memory_space<hbm>> -> memref<1600x32xf32, #tpu.memory_space<hbm>>
    tpu.enqueue_dma source(%arg6 : memref<1600x32xf32, #tpu.memory_space<vmem>>) target(%dma_start3A_61 : memref<1600x32xf32, #tpu.memory_space<hbm>>) target_semaphore(%arg10 : memref<!tpu.dma_semaphore, #tpu.memory_space<semaphore_mem>>)
    %dma_wait3A_62 = arith.constant 4800 : i32
    %dma_wait3A_63 = tpu.memref_slice %arg5[%dma_wait3A_62] : memref<6400xi32, #tpu.memory_space<vmem>> -> memref<1600xi32, #tpu.memory_space<vmem>>
    %dma_wait3A_64 = arith.constant 0 : i32
    %dma_wait3A_65 = arith.constant 0 : i32
    %dma_wait3A_66 = tpu.memref_slice %arg2[%dma_wait3A_64, %dma_wait3A_65] : memref<1000000x32xf32, #tpu.memory_space<hbm>> -> memref<1000000x32xf32, #tpu.memory_space<hbm>>
    tpu.wait_indirect_dma semaphore(%arg9 : memref<!tpu.dma_semaphore, #tpu.memory_space<semaphore_mem>>) src(%dma_wait3A_66 : memref<1000000x32xf32, #tpu.memory_space<hbm>>) dst(%arg7 : memref<1600x32xf32, #tpu.memory_space<vmem>>)
    %add3A_67 = arith.constant 4800 : i32
    %add3A_68 = arith.addi %mul3A_2, %add3A_67 : i32
    %dma_start3A_69 = arith.constant 0 : i32
    %dma_start3A_70 = tpu.memref_slice %arg4[%add3A_68, %dma_start3A_69] : memref<204800x32xf32, #tpu.memory_space<hbm>> -> memref<1600x32xf32, #tpu.memory_space<hbm>>
    %dma_start3A_71 = arith.constant 0 : i32
    %dma_start3A_72 = tpu.memref_slice %arg4[%add3A_68, %dma_start3A_71] : memref<204800x32xf32, #tpu.memory_space<hbm>> -> memref<1600x32xf32, #tpu.memory_space<hbm>>
    tpu.enqueue_dma source(%arg7 : memref<1600x32xf32, #tpu.memory_space<vmem>>) target(%dma_start3A_72 : memref<1600x32xf32, #tpu.memory_space<hbm>>) target_semaphore(%arg11 : memref<!tpu.dma_semaphore, #tpu.memory_space<semaphore_mem>>)
    %dma_wait3A_73 = arith.constant 0 : i32
    %dma_wait3A_74 = tpu.memref_slice %arg4[%add3A_57, %dma_wait3A_73] : memref<204800x32xf32, #tpu.memory_space<hbm>> -> memref<1600x32xf32, #tpu.memory_space<hbm>>
    %dma_wait3A_75 = arith.constant 0 : i32
    %dma_wait3A_76 = tpu.memref_slice %arg4[%add3A_57, %dma_wait3A_75] : memref<204800x32xf32, #tpu.memory_space<hbm>> -> memref<1600x32xf32, #tpu.memory_space<hbm>>
    tpu.wait_dma2 semaphore(%arg10 : memref<!tpu.dma_semaphore, #tpu.memory_space<semaphore_mem>>) src(%arg6 : memref<1600x32xf32, #tpu.memory_space<vmem>>) dst(%dma_wait3A_76 : memref<1600x32xf32, #tpu.memory_space<hbm>>)
    %dma_wait3A_77 = arith.constant 0 : i32
    %dma_wait3A_78 = tpu.memref_slice %arg4[%add3A_68, %dma_wait3A_77] : memref<204800x32xf32, #tpu.memory_space<hbm>> -> memref<1600x32xf32, #tpu.memory_space<hbm>>
    %dma_wait3A_79 = arith.constant 0 : i32
    %dma_wait3A_80 = tpu.memref_slice %arg4[%add3A_68, %dma_wait3A_79] : memref<204800x32xf32, #tpu.memory_space<hbm>> -> memref<1600x32xf32, #tpu.memory_space<hbm>>
    tpu.wait_dma2 semaphore(%arg11 : memref<!tpu.dma_semaphore, #tpu.memory_space<semaphore_mem>>) src(%arg7 : memref<1600x32xf32, #tpu.memory_space<vmem>>) dst(%dma_wait3A_80 : memref<1600x32xf32, #tpu.memory_space<hbm>>)
    return
  }
}

</mosaic_0001>

<sc_bundles>
// kernel: kernel.12.cloned.1.call-start
scs
__scs_entry_jumppad:
0x0: {  	(pc) =	sbr.rel $0x88, $3  }
0x1: {  	(tag) =	ssettag $0x0;
	lr =	simm.s32 $0x1  }
0x2: {  	[smem:$0x3F9F] =	sst lr;
	_ =	strace $0xD0000000  }
0x3: {  	_ = 	snop  }
0x4: {  	_ = 	snop  }
0x5: {  	_ = 	snop  }
0x6: {  	_ = 	snop  }
0x7: {  	_ = 	snop  }
__scs_overlays_trampoline_lowered:
0x8: {  	[smem:$0x3FAE] =	sst s0  }
0x9: {  	[smem:$0x3FAF] =	sst s1  }
0xa: {  	[smem:$0x3FB0] =	sst s2  }
0xb: {  	[smem:$0x3FB1] =	sst s3  }
0xc: {  	[smem:$0x3FB2] =	sst s4  }
0xd: {  	[smem:$0x3FB3] =	sst s5  }
0xe: {  	[smem:$0x3FB4] =	sst s6  }
0xf: {  	[smem:$0x3FB5] =	sst s7  }
0x10: {  	[smem:$0x3FB6] =	sst s8  }
0x11: {  	[smem:$0x3FB7] =	sst s9;
	s0 =	simm.s32 @!p0 $0x0  }
0x12: {  	s1 =	sld [smem:$0x3F9D];
	s0 =	simm.s32 @p0 $0x1  }
0x13: {  	[smem:$0x3FB8] =	sst s0;
	s0 =	simm.s32 @!p1 $0x0  }
0x14: {  	s2 =	sld [smem:$0x3F9C];
	s0 =	simm.s32 @p1 $0x1  }
0x15: {  	[smem:$0x3FB9] =	sst s0;
	s0 =	simm.s32 @!p2 $0x0  }
0x16: {  	s3 =	sld [smem:$0x3FDB];
	s0 =	simm.s32 @p2 $0x1  }
0x17: {  	s4 =	simm.s32 $0x1BF5;
	[smem:$0x3FBB] =	sst s0  }
0x18: {  	s0 =	sld [smem:$0x3F9E];
	_ =	swait.ge [sflag:s4], $0x0  }
0x19: {  	s7 =	sld [smem:$0x3F9F]  }
0x1a: {  	s8 =	sadd.s32 $0xFFFFE003, lr  }
0x1b: {  	s9 =	sadd.s32 $0xFFFFFEF7, lr;
	s5 =	simm.s32 $0xFFFFFFFF;
	p2 =	slt.u32 s8, $0xFFFFF086  }
0x1c: {  	p1 =	slt.u32 s9, $0xF7A;
	s5 =	simm.s32 @!p2 $0x0  }
0x1d: {  	s5 =	simm.s32 @p1 $0x1;
	p0 =	seq.s32 s7, s2  }
0x1e: {  	s7 =	smul.u32 @!p0 $0xF7A, s2;
	p2 =	seq.s32 @!p0 s5, $0x0  }
0x1f: {  	s9 =	smul.u32 $0xF7A, s1;
	s8 =	simm.s32 @!p0 $0x1BF5;
	p2 =	por !p2, p0  }
0x20: {  	[sflag:s8] =	ssyncset.s32 @!p0 $0xFFFFF086;
	s6 =	sadd.s32 @!p0 s3, s7;
	s7 =	simm.s32 @!p0 $0x108  }
0x21: {  	s3 =	sadd.s32 s3, s9;
	s6 =	sadd.s32 @!p0 $0x88, s6;
	s7 =	simm.s32 @p2 $0x1082  }
0x22: {  	[simem:s7], [sflag:s8] =	dma.local @!p0 [hbm:s6], $0xF7A  }
0x23: {  	s9 =	sor.u32 $0xD0000000, s2;
	s6 =	simm.s32 $0x108;
	_ =	swait.ge @!p0 [sflag:s8], $0x0  }
0x24: {  	s3 =	sadd.s32 $0x88, s3;
	s6 =	simm.s32 @!p1 $0x1082;
	[sflag:s4] =	ssyncset.s32 $0xFFFFF086  }
0x25: {  	[simem:s6], [sflag:s4] =	dma.local [hbm:s3], $0xF7A  }
0x26: {  	[smem:$0x3F9F] =	sst s1;
	(tag) =	ssettag s2;
	_ =	strace s9  }
0x27: {  	s1 =	sld [smem:$0x3FAF]  }
0x28: {  	s2 =	sld [smem:$0x3FB0]  }
0x29: {  	s4 =	sld [smem:$0x3FB2]  }
0x2a: {  	p0 =	seq.s32 s5, $0x0;
	s5 =	sld [smem:$0x3FB3]  }
0x2b: {  	s6 =	sld [smem:$0x3FB4]  }
0x2c: {  	s7 =	sld [smem:$0x3FB5]  }
0x2d: {  	s3 =	simm.s32 $0x108;
	s8 =	sld [smem:$0x3FB6]  }
0x2e: {  	s3 =	simm.s32 @!p0 $0x1082;
	s9 =	sld [smem:$0x3FB7]  }
0x2f: {  	lr =	sadd.s32 s0, s3;
	s0 =	sld [smem:$0x3FAE]  }
0x30: {  	s3 =	sld [smem:$0x3FB1]  }
0x31: {  	[smem:$0x3FBA] =	sst s10  }
0x32: {  	s10 =	sld [smem:$0x3FB8];
	_ =	sdelay $0x3  }
0x33: {  	p0 =	seq.s32 s10, $0x1;
	s10 =	sld [smem:$0x3FBA];
	_ =	sdelay $0x3  }
0x34: {  	[smem:$0x3FBA] =	sst s10  }
0x35: {  	s10 =	sld [smem:$0x3FB9];
	_ =	sdelay $0x3  }
0x36: {  	p1 =	seq.s32 s10, $0x1;
	s10 =	sld [smem:$0x3FBA];
	_ =	sdelay $0x3  }
0x37: {  	[smem:$0x3FBA] =	sst s10  }
0x38: {  	s10 =	sld [smem:$0x3FBB]  }
0x39: {  	_ = 	snop;
	(pc) =	sbr.ind lr, $3  }
0x3a: {  	_ = 	snop  }
0x3b: {  	_ = 	snop  }
0x3c: {  	p2 =	seq.s32 s10, $0x1;
	s10 =	sld [smem:$0x3FBA]  }
0x3d: {  	_ =	shalt  }
0x3e: {  	_ =	shalt  }
0x3f: {  	_ =	shalt  }
0x40: {  	_ =	shalt  }
0x41: {  	_ =	shalt  }
0x42: {  	_ =	shalt  }
0x43: {  	_ =	shalt  }
0x44: {  	_ =	shalt  }
0x45: {  	_ =	shalt  }
0x46: {  	_ =	shalt  }
0x47: {  	_ =	shalt  }
0x48: {  	_ =	shalt  }
0x49: {  	_ =	shalt  }
0x4a: {  	_ =	shalt  }
0x4b: {  	_ =	shalt  }
0x4c: {  	_ =	shalt  }
0x4d: {  	_ =	shalt  }
0x4e: {  	_ =	shalt  }
0x4f: {  	_ =	shalt  }
0x50: {  	_ =	shalt  }
0x51: {  	_ =	shalt  }
0x52: {  	_ =	shalt  }
0x53: {  	_ =	shalt  }
0x54: {  	_ =	shalt  }
0x55: {  	_ =	shalt  }
0x56: {  	_ =	shalt  }
0x57: {  	_ =	shalt  }
0x58: {  	_ =	shalt  }
0x59: {  	_ =	shalt  }
0x5a: {  	_ =	shalt  }
0x5b: {  	_ =	shalt  }
0x5c: {  	_ =	shalt  }
0x5d: {  	_ =	shalt  }
0x5e: {  	_ =	shalt  }
0x5f: {  	_ =	shalt  }
0x60: {  	_ =	shalt  }
0x61: {  	_ =	shalt  }
0x62: {  	_ =	shalt  }
0x63: {  	_ =	shalt  }
0x64: {  	_ =	shalt  }
0x65: {  	_ =	shalt  }
0x66: {  	_ =	shalt  }
0x67: {  	_ =	shalt  }
0x68: {  	_ =	shalt  }
0x69: {  	_ =	shalt  }
0x6a: {  	_ =	shalt  }
0x6b: {  	_ =	shalt  }
0x6c: {  	_ =	shalt  }
0x6d: {  	_ =	shalt  }
0x6e: {  	_ =	shalt  }
0x6f: {  	_ =	shalt  }
0x70: {  	_ =	shalt  }
0x71: {  	_ =	shalt  }
0x72: {  	_ =	shalt  }
0x73: {  	_ =	shalt  }
0x74: {  	_ =	shalt  }
0x75: {  	_ =	shalt  }
0x76: {  	_ =	shalt  }
0x77: {  	_ =	shalt  }
0x78: {  	_ =	shalt  }
0x79: {  	_ =	shalt  }
0x7a: {  	_ =	shalt  }
0x7b: {  	_ =	shalt  }
0x7c: {  	_ =	shalt  }
0x7d: {  	_ =	shalt  }
0x7e: {  	_ =	shalt  }
0x7f: {  	_ =	shalt  }
0x80: {  	_ =	shalt  }
0x81: {  	_ =	shalt  }
0x82: {  	_ =	shalt  }
0x83: {  	_ =	shalt  }
0x84: {  	_ =	shalt  }
0x85: {  	_ =	shalt  }
0x86: {  	_ =	shalt  }
0x87: {  	_ =	shalt  }
.Lfunc_end0:
.L_simem_size_0:
called_computation.2_lowered:
.L_overlay_start_0:
0x88: {  	s2 =	sld [smem:$0x3FD9]  }
0x89: {  	s3 =	sld [smem:$0x3FFE];
	_ =	sdelay $0x1  }
0x8a: {  	s1 =	srdreg.scid  }
0x8b: {  	s0 =	sand.u32 $0x1, s1  }
0x8c: {  	s17 =	sshll.u32 s0, $0xA;
	s2 =	sadd.s32 s3, s2  }
0x8d: {  	s2 =	sadd.s32 s2, s17  }
0x8e: {  	[smem:$0x3FC6] =	sst s2  }
0x8f: {  	_ = 	snop  }
0x90: {  	(tm) =	ssettm $0x1  }
0x91: {  	s18 =	sld [smem:$0x3FFB];
	_ =	sdelay $0x3  }
0x92: {  	_ =	strace s18  }
0x93: {  	s2 =	sld [smem:$0x3FFC];
	_ =	sdelay $0x3  }
0x94: {  	_ =	strace s2  }
0x95: {  	s2 =	sld [smem:$0x3FFD];
	_ =	sdelay $0x3  }
0x96: {  	_ =	strace s2  }
0x97: {  	_ =	strace $0x8FFFFFFF  }
0x98: {  	s19 =	sld [smem:$0x3FDB];
	_ =	sdelay $0x1  }
0x99: {  	s20 =	simm.s32 $_scs_section_size  }
0x9a: {  	s4 =	simm.s32 $_size__tile_overlayer_lowered;
	s5 =	simm.s32 $_tile_overlayer_lowered  }
0x9b: {  	s6 =	simm.s32 $0x1BFF;
	s21 =	sshll.u32 s5, $0x1;
	s3 =	sadd.s32 s20, s19  }
0x9c: {  	s22 =	simm.s32 $0x0;
	s4 =	sshll.u32 s4, $0x1;
	s5 =	sadd.s32 s21, s3  }
0x9d: {  	[timem:s22], [sflag:s6] =	dma.local [hbm:s5], s4  }
0x9e: {  	_ =	swait.ge [sflag:s6], s4  }
0x9f: {  	s4 =	ssub.s32 $0x0, s4;
	[sflag:s6] =	ssyncset.done $0x0  }
0xa0: {  	[sflag:s6] =	ssyncadd.s32 s4;
	_ =	sdelay $0x1  }
0xa1: {  	s23 =	simm.s32 $0x1B8B  }
0xa2: {  	_ =	swait.ge [sflag:s23], $0x1  }
0xa3: {  	[sflag:s23] =	ssyncset.done $0x0  }
0xa4: {  	[sflag:s23] =	ssyncadd.s32 $0xFFFFFFFF  }
0xa5: {  	s4 =	sld [smem:$0x0]  }
0xa6: {  	s5 =	sand.u32 $0xFFFFFFFE, s1  }
0xa7: {  	p0 =	sne.s32 s1, s5  }
0xa8: {  	s5 =	sshll.u32 @p0 s5, $0xE  }
0xa9: {  	s5 =	sadd.s32 @p0 $0x11B8D, s5;
	s6 =	sshll.u32 @p0 s4, $0x11  }
0xaa: {  	s5 =	sor.u32 @p0 s6, s5  }
0xab: {  	[sflag:s5] =	ssyncadd.remote.s32 @p0 $0x1;
	_ =	sdelay $0x1  }
0xac: {  	s5 =	simm.s32 @p0 $0x1B8D  }
0xad: {  	_ =	swait.eq @p0 [sflag:s5], $0x1  }
0xae: {  	[sflag:s5] =	ssyncadd.s32 @p0 $0xFFFFFFFF  }
0xaf: {  	s6 =	sshll.u32 @!p0 s1, $0xE  }
0xb0: {  	s6 =	sor.u32 @!p0 $0x4000, s6;
	s5 =	simm.s32 @!p0 $0x1B8D  }
0xb1: {  	s4 =	sshll.u32 @!p0 s4, $0x11;
	s6 =	sadd.s32 @!p0 $0x11B8D, s6;
	_ =	swait.eq @!p0 [sflag:s5], $0x1  }
0xb2: {  	s4 =	sor.u32 @!p0 s4, s6;
	[sflag:s5] =	ssyncadd.s32 @!p0 $0xFFFFFFFF  }
0xb3: {  	s25 =	simm.s32 $0x1B8E;
	s24 =	sld [smem:$0x3FFE];
	[sflag:s4] =	ssyncadd.remote.s32 @!p0 $0x1  }
0xb4: {  	s26 =	simm.s32 $execute0_lowered;
	[smem:$0x3FD2] =	sst s25  }
0xb5: {  	s5 =	sshll.u32 s26, $0x1;
	_ =	strace $0x80000049;
	[dreg:$0x1] =	wrdreg $0xFFFFFFFF  }
0xb6: {  	s28 =	simm.s32 $_size_execute0_lowered;
	s3 =	sadd.s32 s3, s5;
	[dreg:$0x0] =	wrdreg $0x0  }
0xb7: {  	s5 =	sshll.u32 s28, $0x1;
	[dreg:$0x2] =	wrdreg s3  }
0xb8: {  	[dreg:$0x3] =	wrdreg s5  }
0xb9: {  	[dreg:$0x4] =	wrdreg $0xC0  }
0xba: {  	_ =	task [dreg:s22], $0x5FFFF  }
0xbb: {  	[dreg:$0x1] =	wrdreg $0xFFFFFFFF  }
0xbc: {  	[dreg:$0x0] =	wrdreg $0x60  }
0xbd: {  	[dreg:$0x2] =	wrdreg s24  }
0xbe: {  	[dreg:$0x3] =	wrdreg $0xB  }
0xbf: {  	_ =	task.clear_ibuf [dreg:s22], $0x4FFFF;
	_ =	strace $0x90000049  }
0xc0: {  	s29 =	simm.s32 $0xB;
	_ =	strace $0x8000004B  }
0xc1: {  	_ =	swait.ge [sflag:s29], $0x1  }
0xc2: {  	[sflag:s29] =	ssyncadd.s32 $0xFFFFFFFF  }
0xc3: {  	_ =	strace $0x9000004B  }
0xc4: {  	_ =	sfence  }
0xc5: {  	s30 =	sld [smem:$0x0];
	_ =	sdelay $0x2  }
0xc6: {  	s31 =	sshll.u32 s1, $0xD;
	s1 =	sshrl.u32 s1, $0x2  }
0xc7: {  	s4 =	sand.u32 $0x4000, s31;
	s1 =	sadd.s32 s1, s30  }
0xc8: {  	s0 =	sor.u32 s4, s0;
	s1 =	sshll.u32 s1, $0x11  }
0xc9: {  	s0 =	sor.u32 s1, s0  }
0xca: {  	s0 =	sadd.s32 $0x8F2B, s0  }
0xcb: {  	[sflag:s0] =	ssyncadd.remote.s32 $0x1  }
0xcc: {  	_ =	sfence.sel $0xFFFF  }
0xcd: {  	[dreg:$0x0] =	wrdreg $0xFFFFFFFF;
	(pc) =	sbr.abs _section_cstart, $3  }
0xce: {  	[dreg:$0x1] =	wrdreg $0xFFFFFFFF  }
0xcf: {  	_ =	task.clear_ibuf [dreg:s22], $0x2FFFF;
	_ =	strace $0x9FFFFFFF  }
0xd0: {  	(tm) =	ssettm $0x7FFFFFFF  }
0xd1: {  	_ =	shalt  }
tec
execute0_lowered:
.L_overlay_start_1:
0x0: {  	(tag) =	ssettag $0x1  }
0x1: {  	s1 =	srdreg.scid;
	s0 =	stileid.u32  }
0x2: {  	s18 =	sand.u32 $0x1, s1;
	s30 =	sshll.u32 s0, $0x1  }
0x3: {  	s12 =	sor.u32 s18, s30  }
0x4: {  	s3 =	smul.u32 $0x320, s12  }
0x5: {  	s9 =	rddreg [dreg:$0x0];
	s2 =	simm.s32 $0x0  }
0x6: {  	s4 =	simm.s32 $0x5;
	[smem:$0x7FF] =	sst s2;
	s3 =	sadd.s32 s3, s9  }
0x7: {  	s1 =	rddreg [dreg:$0x1];
	_ =	strace $0x8000004A;
	s3 =	sadd.s32 $0x3400, s3  }
0x8: {  	[tilespmem:s2], [sflag:$0x5] =	stream.linear.gather [hbm4b:s3+s2], $0x1900, $0x38;
	[tilespmem:$0x1A900] =	vst v63  }
0x9: {  	_ =	swait.ge [sflag:s4], $0x1900  }
0xa: {  	s6 =	simm.s32 $0x640;
	s7 =	simm.s32 $0x1900;
	[sflag:s4] =	ssyncset.done $0x0  }
0xb: {  	s8 =	simm.s32 $0x1;
	s5 =	sadd.s32 $0xF45800, s9;
	[sflag:s4] =	ssyncadd.s32 $0xFFFFE700  }
0xc: {  	[tilespmem:s7], [sflag:$0x1] =	stream.indirect.gather [hbm4b:s5+s6], $0x20, s2, s6, $0xb8;
	[tilespmem:$0x1A900] =	vst v63  }
0xd: {  	_ =	swait.ge [sflag:s8], $0xC800  }
0xe: {  	s13 =	sadd.s32 $0xD7C00, s9;
	[sflag:s8] =	ssyncset.done $0x0  }
0xf: {  	s10 =	smul.u32 $0x6400, s12;
	s9 =	simm.s32 $0xE100;
	[sflag:s8] =	ssyncadd.s32 $0xFFFF3800  }
0x10: {  	[tilespmem:s9], [sflag:$0x2] =	stream.indirect.gather [hbm4b:s5+s6], $0x20, s6, s6, $0xb8;
	[tilespmem:$0x1A900] =	vst v63  }
0x11: {  	s11 =	simm.s32 $0x2;
	s10 =	sadd.s32 s13, s10  }
0x12: {  	[hbm4b:s10+s2] =	stream.linear.scatter [tilespmem:s7], [sflag:$0x3], $0xC800, $0x38;
	[tilespmem:$0x1A900] =	vst v63  }
0x13: {  	_ =	swait.ge [sflag:s11], $0xC800  }
0x14: {  	[sflag:s11] =	ssyncset.done $0x0  }
0x15: {  	s14 =	smul.u32 $0x32000, s12;
	s12 =	simm.s32 $0x3;
	[sflag:s11] =	ssyncadd.s32 $0xFFFF3800  }
0x16: {  	_ =	swait.ge [sflag:s12], $0xC800  }
0x17: {  	s14 =	sshrl.u32 s14, $0x3;
	[sflag:s12] =	ssyncset.done $0x0  }
0x18: {  	s19 =	sadd.s32 s13, s14;
	s13 =	simm.s32 $0xC80;
	[sflag:s12] =	ssyncadd.s32 $0xFFFF3800  }
0x19: {  	[tilespmem:s7], [sflag:$0x1] =	stream.indirect.gather [hbm4b:s5+s6], $0x20, s13, s6, $0xb8;
	[tilespmem:$0x1A900] =	vst v63  }
0x1a: {  	s14 =	sadd.s32 $0x1900, s19  }
0x1b: {  	[hbm4b:s14+s2] =	stream.linear.scatter [tilespmem:s9], [sflag:$0x4], $0xC800, $0x38;
	[tilespmem:$0x1A900] =	vst v63  }
0x1c: {  	_ =	swait.ge [sflag:s8], $0xC800  }
0x1d: {  	[sflag:s8] =	ssyncset.done $0x0  }
0x1e: {  	s15 =	simm.s32 $0x4;
	[sflag:s8] =	ssyncadd.s32 $0xFFFF3800  }
0x1f: {  	_ =	swait.ge [sflag:s15], $0xC800  }
0x20: {  	[sflag:s15] =	ssyncset.done $0x0  }
0x21: {  	s16 =	simm.s32 $0x12C0;
	s20 =	ssub.s32 $0x2, s18;
	[sflag:s15] =	ssyncadd.s32 $0xFFFF3800  }
0x22: {  	[tilespmem:s9], [sflag:$0x2] =	stream.indirect.gather [hbm4b:s5+s6], $0x20, s16, s6, $0xb8;
	[tilespmem:$0x1A900] =	vst v63  }
0x23: {  	s31 =	sshrl.u32 s20, $0x1;
	s17 =	sadd.s32 $0x3200, s19  }
0x24: {  	[hbm4b:s17+s2] =	stream.linear.scatter [tilespmem:s7], [sflag:$0x3], $0xC800, $0x38;
	[tilespmem:$0x1A900] =	vst v63  }
0x25: {  	s18 =	sadd.s32 $0x4B00, s19;
	s19 =	ssub.s32 s20, s31;
	_ =	swait.ge [sflag:s11], $0xC800  }
0x26: {  	s19 =	smax.u32 s19, $0x1;
	[sflag:s11] =	ssyncset.done $0x0  }
0x27: {  	p0 =	sne.s32 s19, $0x1;
	[sflag:s11] =	ssyncadd.s32 $0xFFFF3800  }
0x28: {  	[hbm4b:s18+s2] =	stream.linear.scatter [tilespmem:s9], [sflag:$0x4], $0xC800, $0x38;
	[tilespmem:$0x1A900] =	vst v63  }
.Ltmp0:
0x29: {  	_ =	swait.ge [sflag:s12], $0xC800;
	(pc) =	sbr.rel @!p0 .LBB2_2-.Ltmp0, $4  }
0x2a: {  	[sflag:s12] =	ssyncset.done $0x0  }
0x2b: {  	[sflag:s12] =	ssyncadd.s32 $0xFFFF3800  }
0x2c: {  	_ =	swait.ge [sflag:s15], $0xC800  }
0x2d: {  	s19 =	sadd.s32 $0xFFFFFFFF, s19;
	[sflag:s15] =	ssyncset.done $0x0  }
.LBB2_1:
0x2e: {  	p0 =	sne.s32 s19, $0x1;
	s19 =	sadd.s32 $0xFFFFFFFF, s19;
	[sflag:s15] =	ssyncadd.s32 $0xFFFF3800  }
0x2f: {  	[tilespmem:s2], [sflag:$0x5] =	stream.linear.gather [hbm4b:s3+s2], $0x1900, $0x38;
	[tilespmem:$0x1A900] =	vst v63  }
0x30: {  	_ =	swait.ge [sflag:s4], $0x1900  }
0x31: {  	[sflag:s4] =	ssyncset.done $0x0  }
0x32: {  	[sflag:s4] =	ssyncadd.s32 $0xFFFFE700  }
0x33: {  	[tilespmem:s7], [sflag:$0x1] =	stream.indirect.gather [hbm4b:s5+s6], $0x20, s2, s6, $0xb8;
	[tilespmem:$0x1A900] =	vst v63  }
0x34: {  	_ =	swait.ge [sflag:s8], $0xC800  }
0x35: {  	[sflag:s8] =	ssyncset.done $0x0  }
0x36: {  	[sflag:s8] =	ssyncadd.s32 $0xFFFF3800  }
0x37: {  	[tilespmem:s9], [sflag:$0x2] =	stream.indirect.gather [hbm4b:s5+s6], $0x20, s6, s6, $0xb8;
	[tilespmem:$0x1A900] =	vst v63  }
0x38: {  	_ = 	snop  }
0x39: {  	[hbm4b:s10+s2] =	stream.linear.scatter [tilespmem:s7], [sflag:$0x3], $0xC800, $0x38;
	[tilespmem:$0x1A900] =	vst v63  }
0x3a: {  	_ =	swait.ge [sflag:s11], $0xC800  }
0x3b: {  	[sflag:s11] =	ssyncset.done $0x0  }
0x3c: {  	[sflag:s11] =	ssyncadd.s32 $0xFFFF3800  }
0x3d: {  	_ =	swait.ge [sflag:s12], $0xC800  }
0x3e: {  	[sflag:s12] =	ssyncset.done $0x0  }
0x3f: {  	[sflag:s12] =	ssyncadd.s32 $0xFFFF3800  }
0x40: {  	[tilespmem:s7], [sflag:$0x1] =	stream.indirect.gather [hbm4b:s5+s6], $0x20, s13, s6, $0xb8;
	[tilespmem:$0x1A900] =	vst v63  }
0x41: {  	_ = 	snop  }
0x42: {  	[hbm4b:s14+s2] =	stream.linear.scatter [tilespmem:s9], [sflag:$0x4], $0xC800, $0x38;
	[tilespmem:$0x1A900] =	vst v63  }
0x43: {  	_ =	swait.ge [sflag:s8], $0xC800  }
0x44: {  	[sflag:s8] =	ssyncset.done $0x0  }
0x45: {  	[sflag:s8] =	ssyncadd.s32 $0xFFFF3800  }
0x46: {  	_ =	swait.ge [sflag:s15], $0xC800  }
0x47: {  	[sflag:s15] =	ssyncset.done $0x0  }
0x48: {  	[sflag:s15] =	ssyncadd.s32 $0xFFFF3800  }
0x49: {  	[tilespmem:s9], [sflag:$0x2] =	stream.indirect.gather [hbm4b:s5+s6], $0x20, s16, s6, $0xb8;
	[tilespmem:$0x1A900] =	vst v63  }
0x4a: {  	_ = 	snop  }
0x4b: {  	[hbm4b:s17+s2] =	stream.linear.scatter [tilespmem:s7], [sflag:$0x3], $0xC800, $0x38;
	[tilespmem:$0x1A900] =	vst v63  }
0x4c: {  	_ =	swait.ge [sflag:s11], $0xC800  }
0x4d: {  	[sflag:s11] =	ssyncset.done $0x0  }
0x4e: {  	[sflag:s11] =	ssyncadd.s32 $0xFFFF3800  }
0x4f: {  	[hbm4b:s18+s2] =	stream.linear.scatter [tilespmem:s9], [sflag:$0x4], $0xC800, $0x38;
	[tilespmem:$0x1A900] =	vst v63  }
.Ltmp1:
0x50: {  	_ =	swait.ge [sflag:s12], $0xC800;
	(pc) =	sbr.rel @p0 .LBB2_1-.Ltmp1, $4  }
0x51: {  	[sflag:s12] =	ssyncset.done $0x0  }
0x52: {  	[sflag:s12] =	ssyncadd.s32 $0xFFFF3800  }
0x53: {  	_ =	swait.ge [sflag:s15], $0xC800  }
0x54: {  	[sflag:s15] =	ssyncset.done $0x0  }
.LBB2_2:
0x55: {  	[sflag:s15] =	ssyncadd.s32 $0xFFFF3800  }
0x56: {  	_ =	sfence.sel $0x180000  }
0x57: {  	[bflag:$0x0] =	sbarrier.arrive $0xFFFF  }
0x58: {  	p0 =	sne.s32 s0, $0x0;
	_ =	strace $0x9000004A  }
0x59: {  	s0 =	sadd.s32 @!p0 $0x100000, s1;
	[bflag:$0x2] =	sbarrier.arrive $0xFFFF  }
0x5a: {  	[sflag:s0] =	ssyncadd.tile.s32 @!p0 $0x1;
	_ =	shalt  }
.Lfunc_end2:
_tile_overlayer_lowered:
.L_overlay_start_2:
0x5b: {  	(tag) =	ssettag $0x2  }
0x5c: {  	s0 =	rddreg [dreg:$0x0];
	s2 =	stileid.u32  }
0x5d: {  	s1 =	rddreg [dreg:$0x1];
	p0 =	sne.s32 s2, $0x0  }
0x5e: {  	s3 =	rddreg [dreg:$0x2];
	[bflag:$0x3] =	sbarrier.arrive $0xFFFF;
	s2 =	simm.s32 @!p0 $0x1C05  }
0x5f: {  	[timem:s3], [sflag:s2] =	dma.local @!p0 [hbm:s0], s1  }
0x60: {  	s0 =	simm.s32 @!p0 $0x5  }
0x61: {  	_ =	swait.ge @!p0 [sflag:s0], s1  }
0x62: {  	s1 =	ssub.s32 @!p0 $0x0, s1;
	[sflag:s0] =	ssyncset.done @!p0 $0x0  }
0x63: {  	[sflag:s0] =	ssyncadd.s32 @!p0 s1  }
0x64: {  	[bflag:$0x3] =	sbarrier.arrive $0xFFFF  }
0x65: {  	_ =	shalt  }

// kernel: kernel.15.cloned.1.call-start
scs
__scs_entry_jumppad:
0x0: {  	(pc) =	sbr.rel $0x88, $3  }
0x1: {  	(tag) =	ssettag $0x0;
	lr =	simm.s32 $0x1  }
0x2: {  	[smem:$0x3F9F] =	sst lr;
	_ =	strace $0xD0000000  }
0x3: {  	_ = 	snop  }
0x4: {  	_ = 	snop  }
0x5: {  	_ = 	snop  }
0x6: {  	_ = 	snop  }
0x7: {  	_ = 	snop  }
__scs_overlays_trampoline_lowered:
0x8: {  	[smem:$0x3FAE] =	sst s0  }
0x9: {  	[smem:$0x3FAF] =	sst s1  }
0xa: {  	[smem:$0x3FB0] =	sst s2  }
0xb: {  	[smem:$0x3FB1] =	sst s3  }
0xc: {  	[smem:$0x3FB2] =	sst s4  }
0xd: {  	[smem:$0x3FB3] =	sst s5  }
0xe: {  	[smem:$0x3FB4] =	sst s6  }
0xf: {  	[smem:$0x3FB5] =	sst s7  }
0x10: {  	[smem:$0x3FB6] =	sst s8  }
0x11: {  	[smem:$0x3FB7] =	sst s9;
	s0 =	simm.s32 @!p0 $0x0  }
0x12: {  	s1 =	sld [smem:$0x3F9D];
	s0 =	simm.s32 @p0 $0x1  }
0x13: {  	[smem:$0x3FB8] =	sst s0;
	s0 =	simm.s32 @!p1 $0x0  }
0x14: {  	s2 =	sld [smem:$0x3F9C];
	s0 =	simm.s32 @p1 $0x1  }
0x15: {  	[smem:$0x3FB9] =	sst s0;
	s0 =	simm.s32 @!p2 $0x0  }
0x16: {  	s3 =	sld [smem:$0x3FDB];
	s0 =	simm.s32 @p2 $0x1  }
0x17: {  	s4 =	simm.s32 $0x1BF5;
	[smem:$0x3FBB] =	sst s0  }
0x18: {  	s0 =	sld [smem:$0x3F9E];
	_ =	swait.ge [sflag:s4], $0x0  }
0x19: {  	s7 =	sld [smem:$0x3F9F]  }
0x1a: {  	s8 =	sadd.s32 $0xFFFFE003, lr  }
0x1b: {  	s9 =	sadd.s32 $0xFFFFFEF7, lr;
	s5 =	simm.s32 $0xFFFFFFFF;
	p2 =	slt.u32 s8, $0xFFFFF086  }
0x1c: {  	p1 =	slt.u32 s9, $0xF7A;
	s5 =	simm.s32 @!p2 $0x0  }
0x1d: {  	s5 =	simm.s32 @p1 $0x1;
	p0 =	seq.s32 s7, s2  }
0x1e: {  	s7 =	smul.u32 @!p0 $0xF7A, s2;
	p2 =	seq.s32 @!p0 s5, $0x0  }
0x1f: {  	s9 =	smul.u32 $0xF7A, s1;
	s8 =	simm.s32 @!p0 $0x1BF5;
	p2 =	por !p2, p0  }
0x20: {  	[sflag:s8] =	ssyncset.s32 @!p0 $0xFFFFF086;
	s6 =	sadd.s32 @!p0 s3, s7;
	s7 =	simm.s32 @!p0 $0x108  }
0x21: {  	s3 =	sadd.s32 s3, s9;
	s6 =	sadd.s32 @!p0 $0x88, s6;
	s7 =	simm.s32 @p2 $0x1082  }
0x22: {  	[simem:s7], [sflag:s8] =	dma.local @!p0 [hbm:s6], $0xF7A  }
0x23: {  	s9 =	sor.u32 $0xD0000000, s2;
	s6 =	simm.s32 $0x108;
	_ =	swait.ge @!p0 [sflag:s8], $0x0  }
0x24: {  	s3 =	sadd.s32 $0x88, s3;
	s6 =	simm.s32 @!p1 $0x1082;
	[sflag:s4] =	ssyncset.s32 $0xFFFFF086  }
0x25: {  	[simem:s6], [sflag:s4] =	dma.local [hbm:s3], $0xF7A  }
0x26: {  	[smem:$0x3F9F] =	sst s1;
	(tag) =	ssettag s2;
	_ =	strace s9  }
0x27: {  	s1 =	sld [smem:$0x3FAF]  }
0x28: {  	s2 =	sld [smem:$0x3FB0]  }
0x29: {  	s4 =	sld [smem:$0x3FB2]  }
0x2a: {  	p0 =	seq.s32 s5, $0x0;
	s5 =	sld [smem:$0x3FB3]  }
0x2b: {  	s6 =	sld [smem:$0x3FB4]  }
0x2c: {  	s7 =	sld [smem:$0x3FB5]  }
0x2d: {  	s3 =	simm.s32 $0x108;
	s8 =	sld [smem:$0x3FB6]  }
0x2e: {  	s3 =	simm.s32 @!p0 $0x1082;
	s9 =	sld [smem:$0x3FB7]  }
0x2f: {  	lr =	sadd.s32 s0, s3;
	s0 =	sld [smem:$0x3FAE]  }
0x30: {  	s3 =	sld [smem:$0x3FB1]  }
0x31: {  	[smem:$0x3FBA] =	sst s10  }
0x32: {  	s10 =	sld [smem:$0x3FB8];
	_ =	sdelay $0x3  }
0x33: {  	p0 =	seq.s32 s10, $0x1;
	s10 =	sld [smem:$0x3FBA];
	_ =	sdelay $0x3  }
0x34: {  	[smem:$0x3FBA] =	sst s10  }
0x35: {  	s10 =	sld [smem:$0x3FB9];
	_ =	sdelay $0x3  }
0x36: {  	p1 =	seq.s32 s10, $0x1;
	s10 =	sld [smem:$0x3FBA];
	_ =	sdelay $0x3  }
0x37: {  	[smem:$0x3FBA] =	sst s10  }
0x38: {  	s10 =	sld [smem:$0x3FBB]  }
0x39: {  	_ = 	snop;
	(pc) =	sbr.ind lr, $3  }
0x3a: {  	_ = 	snop  }
0x3b: {  	_ = 	snop  }
0x3c: {  	p2 =	seq.s32 s10, $0x1;
	s10 =	sld [smem:$0x3FBA]  }
0x3d: {  	_ =	shalt  }
0x3e: {  	_ =	shalt  }
0x3f: {  	_ =	shalt  }
0x40: {  	_ =	shalt  }
0x41: {  	_ =	shalt  }
0x42: {  	_ =	shalt  }
0x43: {  	_ =	shalt  }
0x44: {  	_ =	shalt  }
0x45: {  	_ =	shalt  }
0x46: {  	_ =	shalt  }
0x47: {  	_ =	shalt  }
0x48: {  	_ =	shalt  }
0x49: {  	_ =	shalt  }
0x4a: {  	_ =	shalt  }
0x4b: {  	_ =	shalt  }
0x4c: {  	_ =	shalt  }
0x4d: {  	_ =	shalt  }
0x4e: {  	_ =	shalt  }
0x4f: {  	_ =	shalt  }
0x50: {  	_ =	shalt  }
0x51: {  	_ =	shalt  }
0x52: {  	_ =	shalt  }
0x53: {  	_ =	shalt  }
0x54: {  	_ =	shalt  }
0x55: {  	_ =	shalt  }
0x56: {  	_ =	shalt  }
0x57: {  	_ =	shalt  }
0x58: {  	_ =	shalt  }
0x59: {  	_ =	shalt  }
0x5a: {  	_ =	shalt  }
0x5b: {  	_ =	shalt  }
0x5c: {  	_ =	shalt  }
0x5d: {  	_ =	shalt  }
0x5e: {  	_ =	shalt  }
0x5f: {  	_ =	shalt  }
0x60: {  	_ =	shalt  }
0x61: {  	_ =	shalt  }
0x62: {  	_ =	shalt  }
0x63: {  	_ =	shalt  }
0x64: {  	_ =	shalt  }
0x65: {  	_ =	shalt  }
0x66: {  	_ =	shalt  }
0x67: {  	_ =	shalt  }
0x68: {  	_ =	shalt  }
0x69: {  	_ =	shalt  }
0x6a: {  	_ =	shalt  }
0x6b: {  	_ =	shalt  }
0x6c: {  	_ =	shalt  }
0x6d: {  	_ =	shalt  }
0x6e: {  	_ =	shalt  }
0x6f: {  	_ =	shalt  }
0x70: {  	_ =	shalt  }
0x71: {  	_ =	shalt  }
0x72: {  	_ =	shalt  }
0x73: {  	_ =	shalt  }
0x74: {  	_ =	shalt  }
0x75: {  	_ =	shalt  }
0x76: {  	_ =	shalt  }
0x77: {  	_ =	shalt  }
0x78: {  	_ =	shalt  }
0x79: {  	_ =	shalt  }
0x7a: {  	_ =	shalt  }
0x7b: {  	_ =	shalt  }
0x7c: {  	_ =	shalt  }
0x7d: {  	_ =	shalt  }
0x7e: {  	_ =	shalt  }
0x7f: {  	_ =	shalt  }
0x80: {  	_ =	shalt  }
0x81: {  	_ =	shalt  }
0x82: {  	_ =	shalt  }
0x83: {  	_ =	shalt  }
0x84: {  	_ =	shalt  }
0x85: {  	_ =	shalt  }
0x86: {  	_ =	shalt  }
0x87: {  	_ =	shalt  }
.Lfunc_end0:
.L_simem_size_0:
called_computation.3_lowered:
.L_overlay_start_0:
0x88: {  	s2 =	sld [smem:$0x3FD9]  }
0x89: {  	s3 =	sld [smem:$0x3FFE];
	_ =	sdelay $0x1  }
0x8a: {  	s1 =	srdreg.scid  }
0x8b: {  	s0 =	sand.u32 $0x1, s1  }
0x8c: {  	s17 =	sshll.u32 s0, $0xA;
	s2 =	sadd.s32 s3, s2  }
0x8d: {  	s2 =	sadd.s32 s2, s17  }
0x8e: {  	[smem:$0x3FC6] =	sst s2  }
0x8f: {  	_ = 	snop  }
0x90: {  	(tm) =	ssettm $0x1  }
0x91: {  	s18 =	sld [smem:$0x3FFB];
	_ =	sdelay $0x3  }
0x92: {  	_ =	strace s18  }
0x93: {  	s2 =	sld [smem:$0x3FFC];
	_ =	sdelay $0x3  }
0x94: {  	_ =	strace s2  }
0x95: {  	s2 =	sld [smem:$0x3FFD];
	_ =	sdelay $0x3  }
0x96: {  	_ =	strace s2  }
0x97: {  	_ =	strace $0x8FFFFFFF  }
0x98: {  	s19 =	sld [smem:$0x3FDB];
	_ =	sdelay $0x1  }
0x99: {  	s20 =	simm.s32 $_scs_section_size  }
0x9a: {  	s4 =	simm.s32 $_size__tile_overlayer_lowered;
	s5 =	simm.s32 $_tile_overlayer_lowered  }
0x9b: {  	s6 =	simm.s32 $0x1BFF;
	s21 =	sshll.u32 s5, $0x1;
	s3 =	sadd.s32 s20, s19  }
0x9c: {  	s22 =	simm.s32 $0x0;
	s4 =	sshll.u32 s4, $0x1;
	s5 =	sadd.s32 s21, s3  }
0x9d: {  	[timem:s22], [sflag:s6] =	dma.local [hbm:s5], s4  }
0x9e: {  	_ =	swait.ge [sflag:s6], s4  }
0x9f: {  	s4 =	ssub.s32 $0x0, s4;
	[sflag:s6] =	ssyncset.done $0x0  }
0xa0: {  	[sflag:s6] =	ssyncadd.s32 s4;
	_ =	sdelay $0x1  }
0xa1: {  	s23 =	simm.s32 $0x1B8B  }
0xa2: {  	_ =	swait.ge [sflag:s23], $0x1  }
0xa3: {  	[sflag:s23] =	ssyncset.done $0x0  }
0xa4: {  	[sflag:s23] =	ssyncadd.s32 $0xFFFFFFFF  }
0xa5: {  	s4 =	sld [smem:$0x0]  }
0xa6: {  	s5 =	sand.u32 $0xFFFFFFFE, s1  }
0xa7: {  	p0 =	sne.s32 s1, s5  }
0xa8: {  	s5 =	sshll.u32 @p0 s5, $0xE  }
0xa9: {  	s5 =	sadd.s32 @p0 $0x11B8D, s5;
	s6 =	sshll.u32 @p0 s4, $0x11  }
0xaa: {  	s5 =	sor.u32 @p0 s6, s5  }
0xab: {  	[sflag:s5] =	ssyncadd.remote.s32 @p0 $0x1;
	_ =	sdelay $0x1  }
0xac: {  	s5 =	simm.s32 @p0 $0x1B8D  }
0xad: {  	_ =	swait.eq @p0 [sflag:s5], $0x1  }
0xae: {  	[sflag:s5] =	ssyncadd.s32 @p0 $0xFFFFFFFF  }
0xaf: {  	s6 =	sshll.u32 @!p0 s1, $0xE  }
0xb0: {  	s6 =	sor.u32 @!p0 $0x4000, s6;
	s5 =	simm.s32 @!p0 $0x1B8D  }
0xb1: {  	s4 =	sshll.u32 @!p0 s4, $0x11;
	s6 =	sadd.s32 @!p0 $0x11B8D, s6;
	_ =	swait.eq @!p0 [sflag:s5], $0x1  }
0xb2: {  	s4 =	sor.u32 @!p0 s4, s6;
	[sflag:s5] =	ssyncadd.s32 @!p0 $0xFFFFFFFF  }
0xb3: {  	s25 =	simm.s32 $0x1B8E;
	s24 =	sld [smem:$0x3FFE];
	[sflag:s4] =	ssyncadd.remote.s32 @!p0 $0x1  }
0xb4: {  	s26 =	simm.s32 $execute0_lowered;
	[smem:$0x3FD2] =	sst s25  }
0xb5: {  	s5 =	sshll.u32 s26, $0x1;
	_ =	strace $0x8000004C;
	[dreg:$0x1] =	wrdreg $0xFFFFFFFF  }
0xb6: {  	s28 =	simm.s32 $_size_execute0_lowered;
	s3 =	sadd.s32 s3, s5;
	[dreg:$0x0] =	wrdreg $0x0  }
0xb7: {  	s5 =	sshll.u32 s28, $0x1;
	[dreg:$0x2] =	wrdreg s3  }
0xb8: {  	[dreg:$0x3] =	wrdreg s5  }
0xb9: {  	[dreg:$0x4] =	wrdreg $0xC0  }
0xba: {  	_ =	task [dreg:s22], $0x5FFFF  }
0xbb: {  	[dreg:$0x1] =	wrdreg $0xFFFFFFFF  }
0xbc: {  	[dreg:$0x0] =	wrdreg $0x60  }
0xbd: {  	[dreg:$0x2] =	wrdreg s24  }
0xbe: {  	[dreg:$0x3] =	wrdreg $0xC  }
0xbf: {  	_ =	task.clear_ibuf [dreg:s22], $0x4FFFF;
	_ =	strace $0x9000004C  }
0xc0: {  	s29 =	simm.s32 $0xC;
	_ =	strace $0x8000004E  }
0xc1: {  	_ =	swait.ge [sflag:s29], $0x1  }
0xc2: {  	[sflag:s29] =	ssyncadd.s32 $0xFFFFFFFF  }
0xc3: {  	_ =	strace $0x9000004E  }
0xc4: {  	_ =	sfence  }
0xc5: {  	s30 =	sld [smem:$0x0];
	_ =	sdelay $0x2  }
0xc6: {  	s31 =	sshll.u32 s1, $0xD;
	s1 =	sshrl.u32 s1, $0x2  }
0xc7: {  	s4 =	sand.u32 $0x4000, s31;
	s1 =	sadd.s32 s1, s30  }
0xc8: {  	s0 =	sor.u32 s4, s0;
	s1 =	sshll.u32 s1, $0x11  }
0xc9: {  	s0 =	sor.u32 s1, s0  }
0xca: {  	s0 =	sadd.s32 $0x8F2B, s0  }
0xcb: {  	[sflag:s0] =	ssyncadd.remote.s32 $0x1  }
0xcc: {  	_ =	sfence.sel $0xFFFF  }
0xcd: {  	[dreg:$0x0] =	wrdreg $0xFFFFFFFF;
	(pc) =	sbr.abs _section_cstart, $3  }
0xce: {  	[dreg:$0x1] =	wrdreg $0xFFFFFFFF  }
0xcf: {  	_ =	task.clear_ibuf [dreg:s22], $0x2FFFF;
	_ =	strace $0x9FFFFFFF  }
0xd0: {  	(tm) =	ssettm $0x7FFFFFFF  }
0xd1: {  	_ =	shalt  }
tec
execute0_lowered:
.L_overlay_start_1:
0x0: {  	(tag) =	ssettag $0x1  }
0x1: {  	s1 =	srdreg.scid;
	s0 =	stileid.u32  }
0x2: {  	s18 =	sand.u32 $0x1, s1;
	s30 =	sshll.u32 s0, $0x1  }
0x3: {  	s12 =	sor.u32 s18, s30  }
0x4: {  	s3 =	smul.u32 $0x320, s12  }
0x5: {  	s9 =	rddreg [dreg:$0x0];
	s2 =	simm.s32 $0x0  }
0x6: {  	s4 =	simm.s32 $0x5;
	[smem:$0x7FF] =	sst s2;
	s3 =	sadd.s32 s3, s9  }
0x7: {  	s1 =	rddreg [dreg:$0x1];
	_ =	strace $0x8000004D;
	s3 =	sadd.s32 $0x9800, s3  }
0x8: {  	[tilespmem:s2], [sflag:$0x5] =	stream.linear.gather [hbm4b:s3+s2], $0x1900, $0x38;
	[tilespmem:$0x1A900] =	vst v63  }
0x9: {  	_ =	swait.ge [sflag:s4], $0x1900  }
0xa: {  	s6 =	simm.s32 $0x640;
	s7 =	simm.s32 $0x1900;
	[sflag:s4] =	ssyncset.done $0x0  }
0xb: {  	s8 =	simm.s32 $0x1;
	s5 =	sadd.s32 $0xF45800, s9;
	[sflag:s4] =	ssyncadd.s32 $0xFFFFE700  }
0xc: {  	[tilespmem:s7], [sflag:$0x1] =	stream.indirect.gather [hbm4b:s5+s6], $0x20, s2, s6, $0xb8;
	[tilespmem:$0x1A900] =	vst v63  }
0xd: {  	_ =	swait.ge [sflag:s8], $0xC800  }
0xe: {  	s13 =	sadd.s32 $0x19FC00, s9;
	[sflag:s8] =	ssyncset.done $0x0  }
0xf: {  	s10 =	smul.u32 $0x6400, s12;
	s9 =	simm.s32 $0xE100;
	[sflag:s8] =	ssyncadd.s32 $0xFFFF3800  }
0x10: {  	[tilespmem:s9], [sflag:$0x2] =	stream.indirect.gather [hbm4b:s5+s6], $0x20, s6, s6, $0xb8;
	[tilespmem:$0x1A900] =	vst v63  }
0x11: {  	s11 =	simm.s32 $0x2;
	s10 =	sadd.s32 s13, s10  }
0x12: {  	[hbm4b:s10+s2] =	stream.linear.scatter [tilespmem:s7], [sflag:$0x3], $0xC800, $0x38;
	[tilespmem:$0x1A900] =	vst v63  }
0x13: {  	_ =	swait.ge [sflag:s11], $0xC800  }
0x14: {  	[sflag:s11] =	ssyncset.done $0x0  }
0x15: {  	s14 =	smul.u32 $0x32000, s12;
	s12 =	simm.s32 $0x3;
	[sflag:s11] =	ssyncadd.s32 $0xFFFF3800  }
0x16: {  	_ =	swait.ge [sflag:s12], $0xC800  }
0x17: {  	s14 =	sshrl.u32 s14, $0x3;
	[sflag:s12] =	ssyncset.done $0x0  }
0x18: {  	s19 =	sadd.s32 s13, s14;
	s13 =	simm.s32 $0xC80;
	[sflag:s12] =	ssyncadd.s32 $0xFFFF3800  }
0x19: {  	[tilespmem:s7], [sflag:$0x1] =	stream.indirect.gather [hbm4b:s5+s6], $0x20, s13, s6, $0xb8;
	[tilespmem:$0x1A900] =	vst v63  }
0x1a: {  	s14 =	sadd.s32 $0x1900, s19  }
0x1b: {  	[hbm4b:s14+s2] =	stream.linear.scatter [tilespmem:s9], [sflag:$0x4], $0xC800, $0x38;
	[tilespmem:$0x1A900] =	vst v63  }
0x1c: {  	_ =	swait.ge [sflag:s8], $0xC800  }
0x1d: {  	[sflag:s8] =	ssyncset.done $0x0  }
0x1e: {  	s15 =	simm.s32 $0x4;
	[sflag:s8] =	ssyncadd.s32 $0xFFFF3800  }
0x1f: {  	_ =	swait.ge [sflag:s15], $0xC800  }
0x20: {  	[sflag:s15] =	ssyncset.done $0x0  }
0x21: {  	s16 =	simm.s32 $0x12C0;
	s20 =	ssub.s32 $0x2, s18;
	[sflag:s15] =	ssyncadd.s32 $0xFFFF3800  }
0x22: {  	[tilespmem:s9], [sflag:$0x2] =	stream.indirect.gather [hbm4b:s5+s6], $0x20, s16, s6, $0xb8;
	[tilespmem:$0x1A900] =	vst v63  }
0x23: {  	s31 =	sshrl.u32 s20, $0x1;
	s17 =	sadd.s32 $0x3200, s19  }
0x24: {  	[hbm4b:s17+s2] =	stream.linear.scatter [tilespmem:s7], [sflag:$0x3], $0xC800, $0x38;
	[tilespmem:$0x1A900] =	vst v63  }
0x25: {  	s18 =	sadd.s32 $0x4B00, s19;
	s19 =	ssub.s32 s20, s31;
	_ =	swait.ge [sflag:s11], $0xC800  }
0x26: {  	s19 =	smax.u32 s19, $0x1;
	[sflag:s11] =	ssyncset.done $0x0  }
0x27: {  	p0 =	sne.s32 s19, $0x1;
	[sflag:s11] =	ssyncadd.s32 $0xFFFF3800  }
0x28: {  	[hbm4b:s18+s2] =	stream.linear.scatter [tilespmem:s9], [sflag:$0x4], $0xC800, $0x38;
	[tilespmem:$0x1A900] =	vst v63  }
.Ltmp0:
0x29: {  	_ =	swait.ge [sflag:s12], $0xC800;
	(pc) =	sbr.rel @!p0 .LBB2_2-.Ltmp0, $4  }
0x2a: {  	[sflag:s12] =	ssyncset.done $0x0  }
0x2b: {  	[sflag:s12] =	ssyncadd.s32 $0xFFFF3800  }
0x2c: {  	_ =	swait.ge [sflag:s15], $0xC800  }
0x2d: {  	s19 =	sadd.s32 $0xFFFFFFFF, s19;
	[sflag:s15] =	ssyncset.done $0x0  }
.LBB2_1:
0x2e: {  	p0 =	sne.s32 s19, $0x1;
	s19 =	sadd.s32 $0xFFFFFFFF, s19;
	[sflag:s15] =	ssyncadd.s32 $0xFFFF3800  }
0x2f: {  	[tilespmem:s2], [sflag:$0x5] =	stream.linear.gather [hbm4b:s3+s2], $0x1900, $0x38;
	[tilespmem:$0x1A900] =	vst v63  }
0x30: {  	_ =	swait.ge [sflag:s4], $0x1900  }
0x31: {  	[sflag:s4] =	ssyncset.done $0x0  }
0x32: {  	[sflag:s4] =	ssyncadd.s32 $0xFFFFE700  }
0x33: {  	[tilespmem:s7], [sflag:$0x1] =	stream.indirect.gather [hbm4b:s5+s6], $0x20, s2, s6, $0xb8;
	[tilespmem:$0x1A900] =	vst v63  }
0x34: {  	_ =	swait.ge [sflag:s8], $0xC800  }
0x35: {  	[sflag:s8] =	ssyncset.done $0x0  }
0x36: {  	[sflag:s8] =	ssyncadd.s32 $0xFFFF3800  }
0x37: {  	[tilespmem:s9], [sflag:$0x2] =	stream.indirect.gather [hbm4b:s5+s6], $0x20, s6, s6, $0xb8;
	[tilespmem:$0x1A900] =	vst v63  }
0x38: {  	_ = 	snop  }
0x39: {  	[hbm4b:s10+s2] =	stream.linear.scatter [tilespmem:s7], [sflag:$0x3], $0xC800, $0x38;
	[tilespmem:$0x1A900] =	vst v63  }
0x3a: {  	_ =	swait.ge [sflag:s11], $0xC800  }
0x3b: {  	[sflag:s11] =	ssyncset.done $0x0  }
0x3c: {  	[sflag:s11] =	ssyncadd.s32 $0xFFFF3800  }
0x3d: {  	_ =	swait.ge [sflag:s12], $0xC800  }
0x3e: {  	[sflag:s12] =	ssyncset.done $0x0  }
0x3f: {  	[sflag:s12] =	ssyncadd.s32 $0xFFFF3800  }
0x40: {  	[tilespmem:s7], [sflag:$0x1] =	stream.indirect.gather [hbm4b:s5+s6], $0x20, s13, s6, $0xb8;
	[tilespmem:$0x1A900] =	vst v63  }
0x41: {  	_ = 	snop  }
0x42: {  	[hbm4b:s14+s2] =	stream.linear.scatter [tilespmem:s9], [sflag:$0x4], $0xC800, $0x38;
	[tilespmem:$0x1A900] =	vst v63  }
0x43: {  	_ =	swait.ge [sflag:s8], $0xC800  }
0x44: {  	[sflag:s8] =	ssyncset.done $0x0  }
0x45: {  	[sflag:s8] =	ssyncadd.s32 $0xFFFF3800  }
0x46: {  	_ =	swait.ge [sflag:s15], $0xC800  }
0x47: {  	[sflag:s15] =	ssyncset.done $0x0  }
0x48: {  	[sflag:s15] =	ssyncadd.s32 $0xFFFF3800  }
0x49: {  	[tilespmem:s9], [sflag:$0x2] =	stream.indirect.gather [hbm4b:s5+s6], $0x20, s16, s6, $0xb8;
	[tilespmem:$0x1A900] =	vst v63  }
0x4a: {  	_ = 	snop  }
0x4b: {  	[hbm4b:s17+s2] =	stream.linear.scatter [tilespmem:s7], [sflag:$0x3], $0xC800, $0x38;
	[tilespmem:$0x1A900] =	vst v63  }
0x4c: {  	_ =	swait.ge [sflag:s11], $0xC800  }
0x4d: {  	[sflag:s11] =	ssyncset.done $0x0  }
0x4e: {  	[sflag:s11] =	ssyncadd.s32 $0xFFFF3800  }
0x4f: {  	[hbm4b:s18+s2] =	stream.linear.scatter [tilespmem:s9], [sflag:$0x4], $0xC800, $0x38;
	[tilespmem:$0x1A900] =	vst v63  }
.Ltmp1:
0x50: {  	_ =	swait.ge [sflag:s12], $0xC800;
	(pc) =	sbr.rel @p0 .LBB2_1-.Ltmp1, $4  }
0x51: {  	[sflag:s12] =	ssyncset.done $0x0  }
0x52: {  	[sflag:s12] =	ssyncadd.s32 $0xFFFF3800  }
0x53: {  	_ =	swait.ge [sflag:s15], $0xC800  }
0x54: {  	[sflag:s15] =	ssyncset.done $0x0  }
.LBB2_2:
0x55: {  	[sflag:s15] =	ssyncadd.s32 $0xFFFF3800  }
0x56: {  	_ =	sfence.sel $0x180000  }
0x57: {  	[bflag:$0x0] =	sbarrier.arrive $0xFFFF  }
0x58: {  	p0 =	sne.s32 s0, $0x0;
	_ =	strace $0x9000004D  }
0x59: {  	s0 =	sadd.s32 @!p0 $0x100000, s1;
	[bflag:$0x2] =	sbarrier.arrive $0xFFFF  }
0x5a: {  	[sflag:s0] =	ssyncadd.tile.s32 @!p0 $0x1;
	_ =	shalt  }
.Lfunc_end2:
_tile_overlayer_lowered:
.L_overlay_start_2:
0x5b: {  	(tag) =	ssettag $0x2  }
0x5c: {  	s0 =	rddreg [dreg:$0x0];
	s2 =	stileid.u32  }
0x5d: {  	s1 =	rddreg [dreg:$0x1];
	p0 =	sne.s32 s2, $0x0  }
0x5e: {  	s3 =	rddreg [dreg:$0x2];
	[bflag:$0x3] =	sbarrier.arrive $0xFFFF;
	s2 =	simm.s32 @!p0 $0x1C05  }
0x5f: {  	[timem:s3], [sflag:s2] =	dma.local @!p0 [hbm:s0], s1  }
0x60: {  	s0 =	simm.s32 @!p0 $0x5  }
0x61: {  	_ =	swait.ge @!p0 [sflag:s0], s1  }
0x62: {  	s1 =	ssub.s32 @!p0 $0x0, s1;
	[sflag:s0] =	ssyncset.done @!p0 $0x0  }
0x63: {  	[sflag:s0] =	ssyncadd.s32 @!p0 s1  }
0x64: {  	[bflag:$0x3] =	sbarrier.arrive $0xFFFF  }
0x65: {  	_ =	shalt  }

// kernel: kernel.6.cloned.1.call-start
scs
__scs_entry_jumppad:
0x0: {  	(pc) =	sbr.rel $0x88, $3  }
0x1: {  	(tag) =	ssettag $0x0;
	lr =	simm.s32 $0x1  }
0x2: {  	[smem:$0x3F9F] =	sst lr;
	_ =	strace $0xD0000000  }
0x3: {  	_ = 	snop  }
0x4: {  	_ = 	snop  }
0x5: {  	_ = 	snop  }
0x6: {  	_ = 	snop  }
0x7: {  	_ = 	snop  }
__scs_overlays_trampoline_lowered:
0x8: {  	[smem:$0x3FAE] =	sst s0  }
0x9: {  	[smem:$0x3FAF] =	sst s1  }
0xa: {  	[smem:$0x3FB0] =	sst s2  }
0xb: {  	[smem:$0x3FB1] =	sst s3  }
0xc: {  	[smem:$0x3FB2] =	sst s4  }
0xd: {  	[smem:$0x3FB3] =	sst s5  }
0xe: {  	[smem:$0x3FB4] =	sst s6  }
0xf: {  	[smem:$0x3FB5] =	sst s7  }
0x10: {  	[smem:$0x3FB6] =	sst s8  }
0x11: {  	[smem:$0x3FB7] =	sst s9;
	s0 =	simm.s32 @!p0 $0x0  }
0x12: {  	s1 =	sld [smem:$0x3F9D];
	s0 =	simm.s32 @p0 $0x1  }
0x13: {  	[smem:$0x3FB8] =	sst s0;
	s0 =	simm.s32 @!p1 $0x0  }
0x14: {  	s2 =	sld [smem:$0x3F9C];
	s0 =	simm.s32 @p1 $0x1  }
0x15: {  	[smem:$0x3FB9] =	sst s0;
	s0 =	simm.s32 @!p2 $0x0  }
0x16: {  	s3 =	sld [smem:$0x3FDB];
	s0 =	simm.s32 @p2 $0x1  }
0x17: {  	s4 =	simm.s32 $0x1BF5;
	[smem:$0x3FBB] =	sst s0  }
0x18: {  	s0 =	sld [smem:$0x3F9E];
	_ =	swait.ge [sflag:s4], $0x0  }
0x19: {  	s7 =	sld [smem:$0x3F9F]  }
0x1a: {  	s8 =	sadd.s32 $0xFFFFE003, lr  }
0x1b: {  	s9 =	sadd.s32 $0xFFFFFEF7, lr;
	s5 =	simm.s32 $0xFFFFFFFF;
	p2 =	slt.u32 s8, $0xFFFFF086  }
0x1c: {  	p1 =	slt.u32 s9, $0xF7A;
	s5 =	simm.s32 @!p2 $0x0  }
0x1d: {  	s5 =	simm.s32 @p1 $0x1;
	p0 =	seq.s32 s7, s2  }
0x1e: {  	s7 =	smul.u32 @!p0 $0xF7A, s2;
	p2 =	seq.s32 @!p0 s5, $0x0  }
0x1f: {  	s9 =	smul.u32 $0xF7A, s1;
	s8 =	simm.s32 @!p0 $0x1BF5;
	p2 =	por !p2, p0  }
0x20: {  	[sflag:s8] =	ssyncset.s32 @!p0 $0xFFFFF086;
	s6 =	sadd.s32 @!p0 s3, s7;
	s7 =	simm.s32 @!p0 $0x108  }
0x21: {  	s3 =	sadd.s32 s3, s9;
	s6 =	sadd.s32 @!p0 $0x88, s6;
	s7 =	simm.s32 @p2 $0x1082  }
0x22: {  	[simem:s7], [sflag:s8] =	dma.local @!p0 [hbm:s6], $0xF7A  }
0x23: {  	s9 =	sor.u32 $0xD0000000, s2;
	s6 =	simm.s32 $0x108;
	_ =	swait.ge @!p0 [sflag:s8], $0x0  }
0x24: {  	s3 =	sadd.s32 $0x88, s3;
	s6 =	simm.s32 @!p1 $0x1082;
	[sflag:s4] =	ssyncset.s32 $0xFFFFF086  }
0x25: {  	[simem:s6], [sflag:s4] =	dma.local [hbm:s3], $0xF7A  }
0x26: {  	[smem:$0x3F9F] =	sst s1;
	(tag) =	ssettag s2;
	_ =	strace s9  }
0x27: {  	s1 =	sld [smem:$0x3FAF]  }
0x28: {  	s2 =	sld [smem:$0x3FB0]  }
0x29: {  	s4 =	sld [smem:$0x3FB2]  }
0x2a: {  	p0 =	seq.s32 s5, $0x0;
	s5 =	sld [smem:$0x3FB3]  }
0x2b: {  	s6 =	sld [smem:$0x3FB4]  }
0x2c: {  	s7 =	sld [smem:$0x3FB5]  }
0x2d: {  	s3 =	simm.s32 $0x108;
	s8 =	sld [smem:$0x3FB6]  }
0x2e: {  	s3 =	simm.s32 @!p0 $0x1082;
	s9 =	sld [smem:$0x3FB7]  }
0x2f: {  	lr =	sadd.s32 s0, s3;
	s0 =	sld [smem:$0x3FAE]  }
0x30: {  	s3 =	sld [smem:$0x3FB1]  }
0x31: {  	[smem:$0x3FBA] =	sst s10  }
0x32: {  	s10 =	sld [smem:$0x3FB8];
	_ =	sdelay $0x3  }
0x33: {  	p0 =	seq.s32 s10, $0x1;
	s10 =	sld [smem:$0x3FBA];
	_ =	sdelay $0x3  }
0x34: {  	[smem:$0x3FBA] =	sst s10  }
0x35: {  	s10 =	sld [smem:$0x3FB9];
	_ =	sdelay $0x3  }
0x36: {  	p1 =	seq.s32 s10, $0x1;
	s10 =	sld [smem:$0x3FBA];
	_ =	sdelay $0x3  }
0x37: {  	[smem:$0x3FBA] =	sst s10  }
0x38: {  	s10 =	sld [smem:$0x3FBB]  }
0x39: {  	_ = 	snop;
	(pc) =	sbr.ind lr, $3  }
0x3a: {  	_ = 	snop  }
0x3b: {  	_ = 	snop  }
0x3c: {  	p2 =	seq.s32 s10, $0x1;
	s10 =	sld [smem:$0x3FBA]  }
0x3d: {  	_ =	shalt  }
0x3e: {  	_ =	shalt  }
0x3f: {  	_ =	shalt  }
0x40: {  	_ =	shalt  }
0x41: {  	_ =	shalt  }
0x42: {  	_ =	shalt  }
0x43: {  	_ =	shalt  }
0x44: {  	_ =	shalt  }
0x45: {  	_ =	shalt  }
0x46: {  	_ =	shalt  }
0x47: {  	_ =	shalt  }
0x48: {  	_ =	shalt  }
0x49: {  	_ =	shalt  }
0x4a: {  	_ =	shalt  }
0x4b: {  	_ =	shalt  }
0x4c: {  	_ =	shalt  }
0x4d: {  	_ =	shalt  }
0x4e: {  	_ =	shalt  }
0x4f: {  	_ =	shalt  }
0x50: {  	_ =	shalt  }
0x51: {  	_ =	shalt  }
0x52: {  	_ =	shalt  }
0x53: {  	_ =	shalt  }
0x54: {  	_ =	shalt  }
0x55: {  	_ =	shalt  }
0x56: {  	_ =	shalt  }
0x57: {  	_ =	shalt  }
0x58: {  	_ =	shalt  }
0x59: {  	_ =	shalt  }
0x5a: {  	_ =	shalt  }
0x5b: {  	_ =	shalt  }
0x5c: {  	_ =	shalt  }
0x5d: {  	_ =	shalt  }
0x5e: {  	_ =	shalt  }
0x5f: {  	_ =	shalt  }
0x60: {  	_ =	shalt  }
0x61: {  	_ =	shalt  }
0x62: {  	_ =	shalt  }
0x63: {  	_ =	shalt  }
0x64: {  	_ =	shalt  }
0x65: {  	_ =	shalt  }
0x66: {  	_ =	shalt  }
0x67: {  	_ =	shalt  }
0x68: {  	_ =	shalt  }
0x69: {  	_ =	shalt  }
0x6a: {  	_ =	shalt  }
0x6b: {  	_ =	shalt  }
0x6c: {  	_ =	shalt  }
0x6d: {  	_ =	shalt  }
0x6e: {  	_ =	shalt  }
0x6f: {  	_ =	shalt  }
0x70: {  	_ =	shalt  }
0x71: {  	_ =	shalt  }
0x72: {  	_ =	shalt  }
0x73: {  	_ =	shalt  }
0x74: {  	_ =	shalt  }
0x75: {  	_ =	shalt  }
0x76: {  	_ =	shalt  }
0x77: {  	_ =	shalt  }
0x78: {  	_ =	shalt  }
0x79: {  	_ =	shalt  }
0x7a: {  	_ =	shalt  }
0x7b: {  	_ =	shalt  }
0x7c: {  	_ =	shalt  }
0x7d: {  	_ =	shalt  }
0x7e: {  	_ =	shalt  }
0x7f: {  	_ =	shalt  }
0x80: {  	_ =	shalt  }
0x81: {  	_ =	shalt  }
0x82: {  	_ =	shalt  }
0x83: {  	_ =	shalt  }
0x84: {  	_ =	shalt  }
0x85: {  	_ =	shalt  }
0x86: {  	_ =	shalt  }
0x87: {  	_ =	shalt  }
.Lfunc_end0:
.L_simem_size_0:
called_computation_lowered:
.L_overlay_start_0:
0x88: {  	s2 =	sld [smem:$0x3FD9]  }
0x89: {  	s3 =	sld [smem:$0x3FFE];
	_ =	sdelay $0x1  }
0x8a: {  	s1 =	srdreg.scid  }
0x8b: {  	s0 =	sand.u32 $0x1, s1  }
0x8c: {  	s17 =	sshll.u32 s0, $0xA;
	s2 =	sadd.s32 s3, s2  }
0x8d: {  	s2 =	sadd.s32 s2, s17  }
0x8e: {  	[smem:$0x3FC6] =	sst s2  }
0x8f: {  	_ = 	snop  }
0x90: {  	(tm) =	ssettm $0x1  }
0x91: {  	s18 =	sld [smem:$0x3FFB];
	_ =	sdelay $0x3  }
0x92: {  	_ =	strace s18  }
0x93: {  	s2 =	sld [smem:$0x3FFC];
	_ =	sdelay $0x3  }
0x94: {  	_ =	strace s2  }
0x95: {  	s2 =	sld [smem:$0x3FFD];
	_ =	sdelay $0x3  }
0x96: {  	_ =	strace s2  }
0x97: {  	_ =	strace $0x8FFFFFFF  }
0x98: {  	s19 =	sld [smem:$0x3FDB];
	_ =	sdelay $0x1  }
0x99: {  	s20 =	simm.s32 $_scs_section_size  }
0x9a: {  	s4 =	simm.s32 $_size__tile_overlayer_lowered;
	s5 =	simm.s32 $_tile_overlayer_lowered  }
0x9b: {  	s6 =	simm.s32 $0x1BFF;
	s21 =	sshll.u32 s5, $0x1;
	s3 =	sadd.s32 s20, s19  }
0x9c: {  	s22 =	simm.s32 $0x0;
	s4 =	sshll.u32 s4, $0x1;
	s5 =	sadd.s32 s21, s3  }
0x9d: {  	[timem:s22], [sflag:s6] =	dma.local [hbm:s5], s4  }
0x9e: {  	_ =	swait.ge [sflag:s6], s4  }
0x9f: {  	s4 =	ssub.s32 $0x0, s4;
	[sflag:s6] =	ssyncset.done $0x0  }
0xa0: {  	[sflag:s6] =	ssyncadd.s32 s4;
	_ =	sdelay $0x1  }
0xa1: {  	s23 =	simm.s32 $0x1B8B  }
0xa2: {  	_ =	swait.ge [sflag:s23], $0x1  }
0xa3: {  	[sflag:s23] =	ssyncset.done $0x0  }
0xa4: {  	[sflag:s23] =	ssyncadd.s32 $0xFFFFFFFF  }
0xa5: {  	s4 =	sld [smem:$0x0]  }
0xa6: {  	s5 =	sand.u32 $0xFFFFFFFE, s1  }
0xa7: {  	p0 =	sne.s32 s1, s5  }
0xa8: {  	s5 =	sshll.u32 @p0 s5, $0xE  }
0xa9: {  	s5 =	sadd.s32 @p0 $0x11B8D, s5;
	s6 =	sshll.u32 @p0 s4, $0x11  }
0xaa: {  	s5 =	sor.u32 @p0 s6, s5  }
0xab: {  	[sflag:s5] =	ssyncadd.remote.s32 @p0 $0x1;
	_ =	sdelay $0x1  }
0xac: {  	s5 =	simm.s32 @p0 $0x1B8D  }
0xad: {  	_ =	swait.eq @p0 [sflag:s5], $0x1  }
0xae: {  	[sflag:s5] =	ssyncadd.s32 @p0 $0xFFFFFFFF  }
0xaf: {  	s6 =	sshll.u32 @!p0 s1, $0xE  }
0xb0: {  	s6 =	sor.u32 @!p0 $0x4000, s6;
	s5 =	simm.s32 @!p0 $0x1B8D  }
0xb1: {  	s4 =	sshll.u32 @!p0 s4, $0x11;
	s6 =	sadd.s32 @!p0 $0x11B8D, s6;
	_ =	swait.eq @!p0 [sflag:s5], $0x1  }
0xb2: {  	s4 =	sor.u32 @!p0 s4, s6;
	[sflag:s5] =	ssyncadd.s32 @!p0 $0xFFFFFFFF  }
0xb3: {  	s25 =	simm.s32 $0x1B8E;
	s24 =	sld [smem:$0x3FFE];
	[sflag:s4] =	ssyncadd.remote.s32 @!p0 $0x1  }
0xb4: {  	s26 =	simm.s32 $execute0_lowered;
	[smem:$0x3FD2] =	sst s25  }
0xb5: {  	s5 =	sshll.u32 s26, $0x1;
	_ =	strace $0x8000004F;
	[dreg:$0x1] =	wrdreg $0xFFFFFFFF  }
0xb6: {  	s28 =	simm.s32 $_size_execute0_lowered;
	s3 =	sadd.s32 s3, s5;
	[dreg:$0x0] =	wrdreg $0x0  }
0xb7: {  	s5 =	sshll.u32 s28, $0x1;
	[dreg:$0x2] =	wrdreg s3  }
0xb8: {  	[dreg:$0x3] =	wrdreg s5  }
0xb9: {  	[dreg:$0x4] =	wrdreg $0xC0  }
0xba: {  	_ =	task [dreg:s22], $0x5FFFF  }
0xbb: {  	[dreg:$0x1] =	wrdreg $0xFFFFFFFF  }
0xbc: {  	[dreg:$0x0] =	wrdreg $0x60  }
0xbd: {  	[dreg:$0x2] =	wrdreg s24  }
0xbe: {  	[dreg:$0x3] =	wrdreg $0x9  }
0xbf: {  	_ =	task.clear_ibuf [dreg:s22], $0x4FFFF;
	_ =	strace $0x9000004F  }
0xc0: {  	s29 =	simm.s32 $0x9;
	_ =	strace $0x80000051  }
0xc1: {  	_ =	swait.ge [sflag:s29], $0x1  }
0xc2: {  	[sflag:s29] =	ssyncadd.s32 $0xFFFFFFFF  }
0xc3: {  	_ =	strace $0x90000051  }
0xc4: {  	_ =	sfence  }
0xc5: {  	s30 =	sld [smem:$0x0];
	_ =	sdelay $0x2  }
0xc6: {  	s31 =	sshll.u32 s1, $0xD;
	s1 =	sshrl.u32 s1, $0x2  }
0xc7: {  	s4 =	sand.u32 $0x4000, s31;
	s1 =	sadd.s32 s1, s30  }
0xc8: {  	s0 =	sor.u32 s4, s0;
	s1 =	sshll.u32 s1, $0x11  }
0xc9: {  	s0 =	sor.u32 s1, s0  }
0xca: {  	s0 =	sadd.s32 $0x8F2B, s0  }
0xcb: {  	[sflag:s0] =	ssyncadd.remote.s32 $0x1  }
0xcc: {  	_ =	sfence.sel $0xFFFF  }
0xcd: {  	[dreg:$0x0] =	wrdreg $0xFFFFFFFF;
	(pc) =	sbr.abs _section_cstart, $3  }
0xce: {  	[dreg:$0x1] =	wrdreg $0xFFFFFFFF  }
0xcf: {  	_ =	task.clear_ibuf [dreg:s22], $0x2FFFF;
	_ =	strace $0x9FFFFFFF  }
0xd0: {  	(tm) =	ssettm $0x7FFFFFFF  }
0xd1: {  	_ =	shalt  }
tec
execute0_lowered:
.L_overlay_start_1:
0x0: {  	(tag) =	ssettag $0x1  }
0x1: {  	s1 =	srdreg.scid;
	s0 =	stileid.u32  }
0x2: {  	s18 =	sand.u32 $0x1, s1;
	s30 =	sshll.u32 s0, $0x1  }
0x3: {  	s12 =	sor.u32 s18, s30  }
0x4: {  	s3 =	smul.u32 $0x320, s12  }
0x5: {  	s9 =	rddreg [dreg:$0x0];
	s2 =	simm.s32 $0x0  }
0x6: {  	s4 =	simm.s32 $0x5;
	[smem:$0x7FF] =	sst s2;
	s3 =	sadd.s32 s3, s9  }
0x7: {  	s1 =	rddreg [dreg:$0x1];
	_ =	strace $0x80000050;
	s3 =	sadd.s32 $0x267C00, s3  }
0x8: {  	[tilespmem:s2], [sflag:$0x5] =	stream.linear.gather [hbm4b:s3+s2], $0x1900, $0x38;
	[tilespmem:$0x1A900] =	vst v63  }
0x9: {  	_ =	swait.ge [sflag:s4], $0x1900  }
0xa: {  	s6 =	simm.s32 $0x640;
	s7 =	simm.s32 $0x1900;
	[sflag:s4] =	ssyncset.done $0x0  }
0xb: {  	s8 =	simm.s32 $0x1;
	s5 =	sadd.s32 $0xF45800, s9;
	[sflag:s4] =	ssyncadd.s32 $0xFFFFE700  }
0xc: {  	[tilespmem:s7], [sflag:$0x1] =	stream.indirect.gather [hbm4b:s5+s6], $0x20, s2, s6, $0xb8;
	[tilespmem:$0x1A900] =	vst v63  }
0xd: {  	_ =	swait.ge [sflag:s8], $0xC800  }
0xe: {  	s13 =	sadd.s32 $0x26E000, s9;
	[sflag:s8] =	ssyncset.done $0x0  }
0xf: {  	s10 =	smul.u32 $0x6400, s12;
	s9 =	simm.s32 $0xE100;
	[sflag:s8] =	ssyncadd.s32 $0xFFFF3800  }
0x10: {  	[tilespmem:s9], [sflag:$0x2] =	stream.indirect.gather [hbm4b:s5+s6], $0x20, s6, s6, $0xb8;
	[tilespmem:$0x1A900] =	vst v63  }
0x11: {  	s11 =	simm.s32 $0x2;
	s10 =	sadd.s32 s13, s10  }
0x12: {  	[hbm4b:s10+s2] =	stream.linear.scatter [tilespmem:s7], [sflag:$0x3], $0xC800, $0x38;
	[tilespmem:$0x1A900] =	vst v63  }
0x13: {  	_ =	swait.ge [sflag:s11], $0xC800  }
0x14: {  	[sflag:s11] =	ssyncset.done $0x0  }
0x15: {  	s14 =	smul.u32 $0x32000, s12;
	s12 =	simm.s32 $0x3;
	[sflag:s11] =	ssyncadd.s32 $0xFFFF3800  }
0x16: {  	_ =	swait.ge [sflag:s12], $0xC800  }
0x17: {  	s14 =	sshrl.u32 s14, $0x3;
	[sflag:s12] =	ssyncset.done $0x0  }
0x18: {  	s19 =	sadd.s32 s13, s14;
	s13 =	simm.s32 $0xC80;
	[sflag:s12] =	ssyncadd.s32 $0xFFFF3800  }
0x19: {  	[tilespmem:s7], [sflag:$0x1] =	stream.indirect.gather [hbm4b:s5+s6], $0x20, s13, s6, $0xb8;
	[tilespmem:$0x1A900] =	vst v63  }
0x1a: {  	s14 =	sadd.s32 $0x1900, s19  }
0x1b: {  	[hbm4b:s14+s2] =	stream.linear.scatter [tilespmem:s9], [sflag:$0x4], $0xC800, $0x38;
	[tilespmem:$0x1A900] =	vst v63  }
0x1c: {  	_ =	swait.ge [sflag:s8], $0xC800  }
0x1d: {  	[sflag:s8] =	ssyncset.done $0x0  }
0x1e: {  	s15 =	simm.s32 $0x4;
	[sflag:s8] =	ssyncadd.s32 $0xFFFF3800  }
0x1f: {  	_ =	swait.ge [sflag:s15], $0xC800  }
0x20: {  	[sflag:s15] =	ssyncset.done $0x0  }
0x21: {  	s16 =	simm.s32 $0x12C0;
	s20 =	ssub.s32 $0x2, s18;
	[sflag:s15] =	ssyncadd.s32 $0xFFFF3800  }
0x22: {  	[tilespmem:s9], [sflag:$0x2] =	stream.indirect.gather [hbm4b:s5+s6], $0x20, s16, s6, $0xb8;
	[tilespmem:$0x1A900] =	vst v63  }
0x23: {  	s31 =	sshrl.u32 s20, $0x1;
	s17 =	sadd.s32 $0x3200, s19  }
0x24: {  	[hbm4b:s17+s2] =	stream.linear.scatter [tilespmem:s7], [sflag:$0x3], $0xC800, $0x38;
	[tilespmem:$0x1A900] =	vst v63  }
0x25: {  	s18 =	sadd.s32 $0x4B00, s19;
	s19 =	ssub.s32 s20, s31;
	_ =	swait.ge [sflag:s11], $0xC800  }
0x26: {  	s19 =	smax.u32 s19, $0x1;
	[sflag:s11] =	ssyncset.done $0x0  }
0x27: {  	p0 =	sne.s32 s19, $0x1;
	[sflag:s11] =	ssyncadd.s32 $0xFFFF3800  }
0x28: {  	[hbm4b:s18+s2] =	stream.linear.scatter [tilespmem:s9], [sflag:$0x4], $0xC800, $0x38;
	[tilespmem:$0x1A900] =	vst v63  }
.Ltmp0:
0x29: {  	_ =	swait.ge [sflag:s12], $0xC800;
	(pc) =	sbr.rel @!p0 .LBB2_2-.Ltmp0, $4  }
0x2a: {  	[sflag:s12] =	ssyncset.done $0x0  }
0x2b: {  	[sflag:s12] =	ssyncadd.s32 $0xFFFF3800  }
0x2c: {  	_ =	swait.ge [sflag:s15], $0xC800  }
0x2d: {  	s19 =	sadd.s32 $0xFFFFFFFF, s19;
	[sflag:s15] =	ssyncset.done $0x0  }
.LBB2_1:
0x2e: {  	p0 =	sne.s32 s19, $0x1;
	s19 =	sadd.s32 $0xFFFFFFFF, s19;
	[sflag:s15] =	ssyncadd.s32 $0xFFFF3800  }
0x2f: {  	[tilespmem:s2], [sflag:$0x5] =	stream.linear.gather [hbm4b:s3+s2], $0x1900, $0x38;
	[tilespmem:$0x1A900] =	vst v63  }
0x30: {  	_ =	swait.ge [sflag:s4], $0x1900  }
0x31: {  	[sflag:s4] =	ssyncset.done $0x0  }
0x32: {  	[sflag:s4] =	ssyncadd.s32 $0xFFFFE700  }
0x33: {  	[tilespmem:s7], [sflag:$0x1] =	stream.indirect.gather [hbm4b:s5+s6], $0x20, s2, s6, $0xb8;
	[tilespmem:$0x1A900] =	vst v63  }
0x34: {  	_ =	swait.ge [sflag:s8], $0xC800  }
0x35: {  	[sflag:s8] =	ssyncset.done $0x0  }
0x36: {  	[sflag:s8] =	ssyncadd.s32 $0xFFFF3800  }
0x37: {  	[tilespmem:s9], [sflag:$0x2] =	stream.indirect.gather [hbm4b:s5+s6], $0x20, s6, s6, $0xb8;
	[tilespmem:$0x1A900] =	vst v63  }
0x38: {  	_ = 	snop  }
0x39: {  	[hbm4b:s10+s2] =	stream.linear.scatter [tilespmem:s7], [sflag:$0x3], $0xC800, $0x38;
	[tilespmem:$0x1A900] =	vst v63  }
0x3a: {  	_ =	swait.ge [sflag:s11], $0xC800  }
0x3b: {  	[sflag:s11] =	ssyncset.done $0x0  }
0x3c: {  	[sflag:s11] =	ssyncadd.s32 $0xFFFF3800  }
0x3d: {  	_ =	swait.ge [sflag:s12], $0xC800  }
0x3e: {  	[sflag:s12] =	ssyncset.done $0x0  }
0x3f: {  	[sflag:s12] =	ssyncadd.s32 $0xFFFF3800  }
0x40: {  	[tilespmem:s7], [sflag:$0x1] =	stream.indirect.gather [hbm4b:s5+s6], $0x20, s13, s6, $0xb8;
	[tilespmem:$0x1A900] =	vst v63  }
0x41: {  	_ = 	snop  }
0x42: {  	[hbm4b:s14+s2] =	stream.linear.scatter [tilespmem:s9], [sflag:$0x4], $0xC800, $0x38;
	[tilespmem:$0x1A900] =	vst v63  }
0x43: {  	_ =	swait.ge [sflag:s8], $0xC800  }
0x44: {  	[sflag:s8] =	ssyncset.done $0x0  }
0x45: {  	[sflag:s8] =	ssyncadd.s32 $0xFFFF3800  }
0x46: {  	_ =	swait.ge [sflag:s15], $0xC800  }
0x47: {  	[sflag:s15] =	ssyncset.done $0x0  }
0x48: {  	[sflag:s15] =	ssyncadd.s32 $0xFFFF3800  }
0x49: {  	[tilespmem:s9], [sflag:$0x2] =	stream.indirect.gather [hbm4b:s5+s6], $0x20, s16, s6, $0xb8;
	[tilespmem:$0x1A900] =	vst v63  }
0x4a: {  	_ = 	snop  }
0x4b: {  	[hbm4b:s17+s2] =	stream.linear.scatter [tilespmem:s7], [sflag:$0x3], $0xC800, $0x38;
	[tilespmem:$0x1A900] =	vst v63  }
0x4c: {  	_ =	swait.ge [sflag:s11], $0xC800  }
0x4d: {  	[sflag:s11] =	ssyncset.done $0x0  }
0x4e: {  	[sflag:s11] =	ssyncadd.s32 $0xFFFF3800  }
0x4f: {  	[hbm4b:s18+s2] =	stream.linear.scatter [tilespmem:s9], [sflag:$0x4], $0xC800, $0x38;
	[tilespmem:$0x1A900] =	vst v63  }
.Ltmp1:
0x50: {  	_ =	swait.ge [sflag:s12], $0xC800;
	(pc) =	sbr.rel @p0 .LBB2_1-.Ltmp1, $4  }
0x51: {  	[sflag:s12] =	ssyncset.done $0x0  }
0x52: {  	[sflag:s12] =	ssyncadd.s32 $0xFFFF3800  }
0x53: {  	_ =	swait.ge [sflag:s15], $0xC800  }
0x54: {  	[sflag:s15] =	ssyncset.done $0x0  }
.LBB2_2:
0x55: {  	[sflag:s15] =	ssyncadd.s32 $0xFFFF3800  }
0x56: {  	_ =	sfence.sel $0x180000  }
0x57: {  	[bflag:$0x0] =	sbarrier.arrive $0xFFFF  }
0x58: {  	p0 =	sne.s32 s0, $0x0;
	_ =	strace $0x90000050  }
0x59: {  	s0 =	sadd.s32 @!p0 $0x100000, s1;
	[bflag:$0x2] =	sbarrier.arrive $0xFFFF  }
0x5a: {  	[sflag:s0] =	ssyncadd.tile.s32 @!p0 $0x1;
	_ =	shalt  }
.Lfunc_end2:
_tile_overlayer_lowered:
.L_overlay_start_2:
0x5b: {  	(tag) =	ssettag $0x2  }
0x5c: {  	s0 =	rddreg [dreg:$0x0];
	s2 =	stileid.u32  }
0x5d: {  	s1 =	rddreg [dreg:$0x1];
	p0 =	sne.s32 s2, $0x0  }
0x5e: {  	s3 =	rddreg [dreg:$0x2];
	[bflag:$0x3] =	sbarrier.arrive $0xFFFF;
	s2 =	simm.s32 @!p0 $0x1C05  }
0x5f: {  	[timem:s3], [sflag:s2] =	dma.local @!p0 [hbm:s0], s1  }
0x60: {  	s0 =	simm.s32 @!p0 $0x5  }
0x61: {  	_ =	swait.ge @!p0 [sflag:s0], s1  }
0x62: {  	s1 =	ssub.s32 @!p0 $0x0, s1;
	[sflag:s0] =	ssyncset.done @!p0 $0x0  }
0x63: {  	[sflag:s0] =	ssyncadd.s32 @!p0 s1  }
0x64: {  	[bflag:$0x3] =	sbarrier.arrive $0xFFFF  }
0x65: {  	_ =	shalt  }

// kernel: kernel.9.cloned.1.call-start
scs
__scs_entry_jumppad:
0x0: {  	(pc) =	sbr.rel $0x88, $3  }
0x1: {  	(tag) =	ssettag $0x0;
	lr =	simm.s32 $0x1  }
0x2: {  	[smem:$0x3F9F] =	sst lr;
	_ =	strace $0xD0000000  }
0x3: {  	_ = 	snop  }
0x4: {  	_ = 	snop  }
0x5: {  	_ = 	snop  }
0x6: {  	_ = 	snop  }
0x7: {  	_ = 	snop  }
__scs_overlays_trampoline_lowered:
0x8: {  	[smem:$0x3FAE] =	sst s0  }
0x9: {  	[smem:$0x3FAF] =	sst s1  }
0xa: {  	[smem:$0x3FB0] =	sst s2  }
0xb: {  	[smem:$0x3FB1] =	sst s3  }
0xc: {  	[smem:$0x3FB2] =	sst s4  }
0xd: {  	[smem:$0x3FB3] =	sst s5  }
0xe: {  	[smem:$0x3FB4] =	sst s6  }
0xf: {  	[smem:$0x3FB5] =	sst s7  }
0x10: {  	[smem:$0x3FB6] =	sst s8  }
0x11: {  	[smem:$0x3FB7] =	sst s9;
	s0 =	simm.s32 @!p0 $0x0  }
0x12: {  	s1 =	sld [smem:$0x3F9D];
	s0 =	simm.s32 @p0 $0x1  }
0x13: {  	[smem:$0x3FB8] =	sst s0;
	s0 =	simm.s32 @!p1 $0x0  }
0x14: {  	s2 =	sld [smem:$0x3F9C];
	s0 =	simm.s32 @p1 $0x1  }
0x15: {  	[smem:$0x3FB9] =	sst s0;
	s0 =	simm.s32 @!p2 $0x0  }
0x16: {  	s3 =	sld [smem:$0x3FDB];
	s0 =	simm.s32 @p2 $0x1  }
0x17: {  	s4 =	simm.s32 $0x1BF5;
	[smem:$0x3FBB] =	sst s0  }
0x18: {  	s0 =	sld [smem:$0x3F9E];
	_ =	swait.ge [sflag:s4], $0x0  }
0x19: {  	s7 =	sld [smem:$0x3F9F]  }
0x1a: {  	s8 =	sadd.s32 $0xFFFFE003, lr  }
0x1b: {  	s9 =	sadd.s32 $0xFFFFFEF7, lr;
	s5 =	simm.s32 $0xFFFFFFFF;
	p2 =	slt.u32 s8, $0xFFFFF086  }
0x1c: {  	p1 =	slt.u32 s9, $0xF7A;
	s5 =	simm.s32 @!p2 $0x0  }
0x1d: {  	s5 =	simm.s32 @p1 $0x1;
	p0 =	seq.s32 s7, s2  }
0x1e: {  	s7 =	smul.u32 @!p0 $0xF7A, s2;
	p2 =	seq.s32 @!p0 s5, $0x0  }
0x1f: {  	s9 =	smul.u32 $0xF7A, s1;
	s8 =	simm.s32 @!p0 $0x1BF5;
	p2 =	por !p2, p0  }
0x20: {  	[sflag:s8] =	ssyncset.s32 @!p0 $0xFFFFF086;
	s6 =	sadd.s32 @!p0 s3, s7;
	s7 =	simm.s32 @!p0 $0x108  }
0x21: {  	s3 =	sadd.s32 s3, s9;
	s6 =	sadd.s32 @!p0 $0x88, s6;
	s7 =	simm.s32 @p2 $0x1082  }
0x22: {  	[simem:s7], [sflag:s8] =	dma.local @!p0 [hbm:s6], $0xF7A  }
0x23: {  	s9 =	sor.u32 $0xD0000000, s2;
	s6 =	simm.s32 $0x108;
	_ =	swait.ge @!p0 [sflag:s8], $0x0  }
0x24: {  	s3 =	sadd.s32 $0x88, s3;
	s6 =	simm.s32 @!p1 $0x1082;
	[sflag:s4] =	ssyncset.s32 $0xFFFFF086  }
0x25: {  	[simem:s6], [sflag:s4] =	dma.local [hbm:s3], $0xF7A  }
0x26: {  	[smem:$0x3F9F] =	sst s1;
	(tag) =	ssettag s2;
	_ =	strace s9  }
0x27: {  	s1 =	sld [smem:$0x3FAF]  }
0x28: {  	s2 =	sld [smem:$0x3FB0]  }
0x29: {  	s4 =	sld [smem:$0x3FB2]  }
0x2a: {  	p0 =	seq.s32 s5, $0x0;
	s5 =	sld [smem:$0x3FB3]  }
0x2b: {  	s6 =	sld [smem:$0x3FB4]  }
0x2c: {  	s7 =	sld [smem:$0x3FB5]  }
0x2d: {  	s3 =	simm.s32 $0x108;
	s8 =	sld [smem:$0x3FB6]  }
0x2e: {  	s3 =	simm.s32 @!p0 $0x1082;
	s9 =	sld [smem:$0x3FB7]  }
0x2f: {  	lr =	sadd.s32 s0, s3;
	s0 =	sld [smem:$0x3FAE]  }
0x30: {  	s3 =	sld [smem:$0x3FB1]  }
0x31: {  	[smem:$0x3FBA] =	sst s10  }
0x32: {  	s10 =	sld [smem:$0x3FB8];
	_ =	sdelay $0x3  }
0x33: {  	p0 =	seq.s32 s10, $0x1;
	s10 =	sld [smem:$0x3FBA];
	_ =	sdelay $0x3  }
0x34: {  	[smem:$0x3FBA] =	sst s10  }
0x35: {  	s10 =	sld [smem:$0x3FB9];
	_ =	sdelay $0x3  }
0x36: {  	p1 =	seq.s32 s10, $0x1;
	s10 =	sld [smem:$0x3FBA];
	_ =	sdelay $0x3  }
0x37: {  	[smem:$0x3FBA] =	sst s10  }
0x38: {  	s10 =	sld [smem:$0x3FBB]  }
0x39: {  	_ = 	snop;
	(pc) =	sbr.ind lr, $3  }
0x3a: {  	_ = 	snop  }
0x3b: {  	_ = 	snop  }
0x3c: {  	p2 =	seq.s32 s10, $0x1;
	s10 =	sld [smem:$0x3FBA]  }
0x3d: {  	_ =	shalt  }
0x3e: {  	_ =	shalt  }
0x3f: {  	_ =	shalt  }
0x40: {  	_ =	shalt  }
0x41: {  	_ =	shalt  }
0x42: {  	_ =	shalt  }
0x43: {  	_ =	shalt  }
0x44: {  	_ =	shalt  }
0x45: {  	_ =	shalt  }
0x46: {  	_ =	shalt  }
0x47: {  	_ =	shalt  }
0x48: {  	_ =	shalt  }
0x49: {  	_ =	shalt  }
0x4a: {  	_ =	shalt  }
0x4b: {  	_ =	shalt  }
0x4c: {  	_ =	shalt  }
0x4d: {  	_ =	shalt  }
0x4e: {  	_ =	shalt  }
0x4f: {  	_ =	shalt  }
0x50: {  	_ =	shalt  }
0x51: {  	_ =	shalt  }
0x52: {  	_ =	shalt  }
0x53: {  	_ =	shalt  }
0x54: {  	_ =	shalt  }
0x55: {  	_ =	shalt  }
0x56: {  	_ =	shalt  }
0x57: {  	_ =	shalt  }
0x58: {  	_ =	shalt  }
0x59: {  	_ =	shalt  }
0x5a: {  	_ =	shalt  }
0x5b: {  	_ =	shalt  }
0x5c: {  	_ =	shalt  }
0x5d: {  	_ =	shalt  }
0x5e: {  	_ =	shalt  }
0x5f: {  	_ =	shalt  }
0x60: {  	_ =	shalt  }
0x61: {  	_ =	shalt  }
0x62: {  	_ =	shalt  }
0x63: {  	_ =	shalt  }
0x64: {  	_ =	shalt  }
0x65: {  	_ =	shalt  }
0x66: {  	_ =	shalt  }
0x67: {  	_ =	shalt  }
0x68: {  	_ =	shalt  }
0x69: {  	_ =	shalt  }
0x6a: {  	_ =	shalt  }
0x6b: {  	_ =	shalt  }
0x6c: {  	_ =	shalt  }
0x6d: {  	_ =	shalt  }
0x6e: {  	_ =	shalt  }
0x6f: {  	_ =	shalt  }
0x70: {  	_ =	shalt  }
0x71: {  	_ =	shalt  }
0x72: {  	_ =	shalt  }
0x73: {  	_ =	shalt  }
0x74: {  	_ =	shalt  }
0x75: {  	_ =	shalt  }
0x76: {  	_ =	shalt  }
0x77: {  	_ =	shalt  }
0x78: {  	_ =	shalt  }
0x79: {  	_ =	shalt  }
0x7a: {  	_ =	shalt  }
0x7b: {  	_ =	shalt  }
0x7c: {  	_ =	shalt  }
0x7d: {  	_ =	shalt  }
0x7e: {  	_ =	shalt  }
0x7f: {  	_ =	shalt  }
0x80: {  	_ =	shalt  }
0x81: {  	_ =	shalt  }
0x82: {  	_ =	shalt  }
0x83: {  	_ =	shalt  }
0x84: {  	_ =	shalt  }
0x85: {  	_ =	shalt  }
0x86: {  	_ =	shalt  }
0x87: {  	_ =	shalt  }
.Lfunc_end0:
.L_simem_size_0:
called_computation.1_lowered:
.L_overlay_start_0:
0x88: {  	s2 =	sld [smem:$0x3FD9]  }
0x89: {  	s3 =	sld [smem:$0x3FFE];
	_ =	sdelay $0x1  }
0x8a: {  	s1 =	srdreg.scid  }
0x8b: {  	s0 =	sand.u32 $0x1, s1  }
0x8c: {  	s17 =	sshll.u32 s0, $0xA;
	s2 =	sadd.s32 s3, s2  }
0x8d: {  	s2 =	sadd.s32 s2, s17  }
0x8e: {  	[smem:$0x3FC6] =	sst s2  }
0x8f: {  	_ = 	snop  }
0x90: {  	s2 =	sld [smem:$0x3FD0];
	(tm) =	ssettm $0x1  }
0x91: {  	s18 =	sld [smem:$0x3FFB];
	_ =	sdelay $0x3  }
0x92: {  	_ =	strace s18  }
0x93: {  	s3 =	sld [smem:$0x3FFC];
	_ =	sdelay $0x3  }
0x94: {  	_ =	strace s3  }
0x95: {  	s3 =	sld [smem:$0x3FFD];
	_ =	sdelay $0x3  }
0x96: {  	_ =	strace s3  }
0x97: {  	_ =	strace $0x8FFFFFFF  }
0x98: {  	s19 =	sld [smem:$0x3FDB];
	_ =	sdelay $0x1  }
0x99: {  	s4 =	simm.s32 $_scs_section_size  }
0x9a: {  	s5 =	simm.s32 $_size__tile_overlayer_lowered;
	s6 =	simm.s32 $_tile_overlayer_lowered  }
0x9b: {  	s22 =	simm.s32 $0x1BFF;
	s21 =	sshll.u32 s6, $0x1;
	s3 =	sadd.s32 s4, s19  }
0x9c: {  	s7 =	simm.s32 $0x0;
	s20 =	sshll.u32 s5, $0x1;
	s5 =	sadd.s32 s21, s3  }
0x9d: {  	[timem:s7], [sflag:s22] =	dma.local [hbm:s5], s20  }
0x9e: {  	_ =	swait.ge [sflag:s22], s20  }
0x9f: {  	s4 =	ssub.s32 $0x0, s20;
	[sflag:s22] =	ssyncset.done $0x0  }
0xa0: {  	[sflag:s22] =	ssyncadd.s32 s4;
	_ =	sdelay $0x1  }
0xa1: {  	s23 =	simm.s32 $0x1B8B  }
0xa2: {  	_ =	swait.ge [sflag:s23], $0x1  }
0xa3: {  	[sflag:s23] =	ssyncset.done $0x0  }
0xa4: {  	s25 =	simm.s32 $0x1B8E;
	s24 =	sld [smem:$0x3FFE];
	[sflag:s23] =	ssyncadd.s32 $0xFFFFFFFF  }
0xa5: {  	s26 =	simm.s32 $execute0_lowered;
	[smem:$0x3FD2] =	sst s25  }
0xa6: {  	s5 =	sshll.u32 s26, $0x1;
	_ =	strace $0x80000046;
	[dreg:$0x1] =	wrdreg $0xFFFFFFFF  }
0xa7: {  	s28 =	simm.s32 $_size_execute0_lowered;
	s3 =	sadd.s32 s3, s5;
	[dreg:$0x0] =	wrdreg $0x0  }
0xa8: {  	s5 =	sshll.u32 s28, $0x1;
	[dreg:$0x2] =	wrdreg s3  }
0xa9: {  	[dreg:$0x3] =	wrdreg s5  }
0xaa: {  	[dreg:$0x4] =	wrdreg $0xC0  }
0xab: {  	_ =	task [dreg:s7], $0x5FFFF  }
0xac: {  	[dreg:$0x1] =	wrdreg $0xFFFFFFFF  }
0xad: {  	[dreg:$0x0] =	wrdreg $0x60  }
0xae: {  	[dreg:$0x2] =	wrdreg s24  }
0xaf: {  	[dreg:$0x3] =	wrdreg s2  }
0xb0: {  	[dreg:$0x4] =	wrdreg $0xA  }
0xb1: {  	_ =	task.clear_ibuf [dreg:s7], $0x5FFFF;
	_ =	strace $0x90000046  }
0xb2: {  	s29 =	simm.s32 $0xA;
	_ =	strace $0x80000048  }
0xb3: {  	_ =	swait.ge [sflag:s29], $0x1  }
0xb4: {  	[sflag:s29] =	ssyncadd.s32 $0xFFFFFFFF  }
0xb5: {  	_ =	strace $0x90000048  }
0xb6: {  	_ =	sfence  }
0xb7: {  	s30 =	sld [smem:$0x0];
	_ =	sdelay $0x2  }
0xb8: {  	s31 =	sshll.u32 s1, $0xD;
	s1 =	sshrl.u32 s1, $0x2  }
0xb9: {  	s3 =	sand.u32 $0x4000, s31;
	s1 =	sadd.s32 s1, s30  }
0xba: {  	s0 =	sor.u32 s3, s0;
	s1 =	sshll.u32 s1, $0x11  }
0xbb: {  	s0 =	sor.u32 s1, s0  }
0xbc: {  	s0 =	sadd.s32 $0x8F2B, s0  }
0xbd: {  	[sflag:s0] =	ssyncadd.remote.s32 $0x1  }
0xbe: {  	_ =	sfence.sel $0xFFFF  }
0xbf: {  	[dreg:$0x0] =	wrdreg $0xFFFFFFFF;
	(pc) =	sbr.abs _section_cstart, $3  }
0xc0: {  	[dreg:$0x1] =	wrdreg $0xFFFFFFFF  }
0xc1: {  	_ =	task.clear_ibuf [dreg:s7], $0x2FFFF;
	_ =	strace $0x9FFFFFFF  }
0xc2: {  	(tm) =	ssettm $0x7FFFFFFF  }
0xc3: {  	_ =	shalt  }
tec
execute0_lowered:
.L_overlay_start_1:
0x0: {  	(tag) =	ssettag $0x1  }
0x1: {  	s1 =	srdreg.scid;
	s0 =	stileid.u32  }
0x2: {  	s9 =	rddreg [dreg:$0x0];
	s18 =	sand.u32 $0x1, s1;
	s30 =	sshll.u32 s0, $0x1  }
0x3: {  	s3 =	rddreg [dreg:$0x1];
	s12 =	sor.u32 s18, s30  }
0x4: {  	s2 =	simm.s32 $0x0;
	s1 =	rddreg [dreg:$0x2];
	s4 =	smul.u32 $0x320, s12  }
0x5: {  	[smem:$0x7FF] =	sst s2  }
0x6: {  	_ =	strace $0x80000047;
	s3 =	sadd.s32 s3, s4;
	s4 =	simm.s32 $0x5  }
0x7: {  	[tilespmem:s2], [sflag:$0x5] =	stream.linear.gather [hbm4b:s3+s2], $0x1900, $0x38;
	[tilespmem:$0x1A900] =	vst v63  }
0x8: {  	_ =	swait.ge [sflag:s4], $0x1900  }
0x9: {  	s6 =	simm.s32 $0x640;
	s7 =	simm.s32 $0x1900;
	[sflag:s4] =	ssyncset.done $0x0  }
0xa: {  	s8 =	simm.s32 $0x1;
	s5 =	sadd.s32 $0xF45800, s9;
	[sflag:s4] =	ssyncadd.s32 $0xFFFFE700  }
0xb: {  	[tilespmem:s7], [sflag:$0x1] =	stream.indirect.gather [hbm4b:s5+s6], $0x20, s2, s6, $0xb8;
	[tilespmem:$0x1A900] =	vst v63  }
0xc: {  	_ =	swait.ge [sflag:s8], $0xC800  }
0xd: {  	s13 =	sadd.s32 $0xFC00, s9;
	[sflag:s8] =	ssyncset.done $0x0  }
0xe: {  	s9 =	simm.s32 $0xE100;
	s10 =	smul.u32 $0x6400, s12;
	[sflag:s8] =	ssyncadd.s32 $0xFFFF3800  }
0xf: {  	[tilespmem:s9], [sflag:$0x2] =	stream.indirect.gather [hbm4b:s5+s6], $0x20, s6, s6, $0xb8;
	[tilespmem:$0x1A900] =	vst v63  }
0x10: {  	s11 =	simm.s32 $0x2;
	s10 =	sadd.s32 s13, s10  }
0x11: {  	[hbm4b:s10+s2] =	stream.linear.scatter [tilespmem:s7], [sflag:$0x3], $0xC800, $0x38;
	[tilespmem:$0x1A900] =	vst v63  }
0x12: {  	_ =	swait.ge [sflag:s11], $0xC800  }
0x13: {  	[sflag:s11] =	ssyncset.done $0x0  }
0x14: {  	s14 =	smul.u32 $0x32000, s12;
	s12 =	simm.s32 $0x3;
	[sflag:s11] =	ssyncadd.s32 $0xFFFF3800  }
0x15: {  	_ =	swait.ge [sflag:s12], $0xC800  }
0x16: {  	s14 =	sshrl.u32 s14, $0x3;
	[sflag:s12] =	ssyncset.done $0x0  }
0x17: {  	s19 =	sadd.s32 s13, s14;
	s13 =	simm.s32 $0xC80;
	[sflag:s12] =	ssyncadd.s32 $0xFFFF3800  }
0x18: {  	[tilespmem:s7], [sflag:$0x1] =	stream.indirect.gather [hbm4b:s5+s6], $0x20, s13, s6, $0xb8;
	[tilespmem:$0x1A900] =	vst v63  }
0x19: {  	s14 =	sadd.s32 $0x1900, s19  }
0x1a: {  	[hbm4b:s14+s2] =	stream.linear.scatter [tilespmem:s9], [sflag:$0x4], $0xC800, $0x38;
	[tilespmem:$0x1A900] =	vst v63  }
0x1b: {  	_ =	swait.ge [sflag:s8], $0xC800  }
0x1c: {  	[sflag:s8] =	ssyncset.done $0x0  }
0x1d: {  	s15 =	simm.s32 $0x4;
	[sflag:s8] =	ssyncadd.s32 $0xFFFF3800  }
0x1e: {  	_ =	swait.ge [sflag:s15], $0xC800  }
0x1f: {  	[sflag:s15] =	ssyncset.done $0x0  }
0x20: {  	s16 =	simm.s32 $0x12C0;
	s20 =	ssub.s32 $0x2, s18;
	[sflag:s15] =	ssyncadd.s32 $0xFFFF3800  }
0x21: {  	[tilespmem:s9], [sflag:$0x2] =	stream.indirect.gather [hbm4b:s5+s6], $0x20, s16, s6, $0xb8;
	[tilespmem:$0x1A900] =	vst v63  }
0x22: {  	s31 =	sshrl.u32 s20, $0x1;
	s17 =	sadd.s32 $0x3200, s19  }
0x23: {  	[hbm4b:s17+s2] =	stream.linear.scatter [tilespmem:s7], [sflag:$0x3], $0xC800, $0x38;
	[tilespmem:$0x1A900] =	vst v63  }
0x24: {  	s18 =	sadd.s32 $0x4B00, s19;
	s19 =	ssub.s32 s20, s31;
	_ =	swait.ge [sflag:s11], $0xC800  }
0x25: {  	s19 =	smax.u32 s19, $0x1;
	[sflag:s11] =	ssyncset.done $0x0  }
0x26: {  	p0 =	sne.s32 s19, $0x1;
	[sflag:s11] =	ssyncadd.s32 $0xFFFF3800  }
0x27: {  	[hbm4b:s18+s2] =	stream.linear.scatter [tilespmem:s9], [sflag:$0x4], $0xC800, $0x38;
	[tilespmem:$0x1A900] =	vst v63  }
.Ltmp0:
0x28: {  	_ =	swait.ge [sflag:s12], $0xC800;
	(pc) =	sbr.rel @!p0 .LBB2_2-.Ltmp0, $4  }
0x29: {  	[sflag:s12] =	ssyncset.done $0x0  }
0x2a: {  	[sflag:s12] =	ssyncadd.s32 $0xFFFF3800  }
0x2b: {  	_ =	swait.ge [sflag:s15], $0xC800  }
0x2c: {  	s19 =	sadd.s32 $0xFFFFFFFF, s19;
	[sflag:s15] =	ssyncset.done $0x0  }
.LBB2_1:
0x2d: {  	p0 =	sne.s32 s19, $0x1;
	s19 =	sadd.s32 $0xFFFFFFFF, s19;
	[sflag:s15] =	ssyncadd.s32 $0xFFFF3800  }
0x2e: {  	[tilespmem:s2], [sflag:$0x5] =	stream.linear.gather [hbm4b:s3+s2], $0x1900, $0x38;
	[tilespmem:$0x1A900] =	vst v63  }
0x2f: {  	_ =	swait.ge [sflag:s4], $0x1900  }
0x30: {  	[sflag:s4] =	ssyncset.done $0x0  }
0x31: {  	[sflag:s4] =	ssyncadd.s32 $0xFFFFE700  }
0x32: {  	[tilespmem:s7], [sflag:$0x1] =	stream.indirect.gather [hbm4b:s5+s6], $0x20, s2, s6, $0xb8;
	[tilespmem:$0x1A900] =	vst v63  }
0x33: {  	_ =	swait.ge [sflag:s8], $0xC800  }
0x34: {  	[sflag:s8] =	ssyncset.done $0x0  }
0x35: {  	[sflag:s8] =	ssyncadd.s32 $0xFFFF3800  }
0x36: {  	[tilespmem:s9], [sflag:$0x2] =	stream.indirect.gather [hbm4b:s5+s6], $0x20, s6, s6, $0xb8;
	[tilespmem:$0x1A900] =	vst v63  }
0x37: {  	_ = 	snop  }
0x38: {  	[hbm4b:s10+s2] =	stream.linear.scatter [tilespmem:s7], [sflag:$0x3], $0xC800, $0x38;
	[tilespmem:$0x1A900] =	vst v63  }
0x39: {  	_ =	swait.ge [sflag:s11], $0xC800  }
0x3a: {  	[sflag:s11] =	ssyncset.done $0x0  }
0x3b: {  	[sflag:s11] =	ssyncadd.s32 $0xFFFF3800  }
0x3c: {  	_ =	swait.ge [sflag:s12], $0xC800  }
0x3d: {  	[sflag:s12] =	ssyncset.done $0x0  }
0x3e: {  	[sflag:s12] =	ssyncadd.s32 $0xFFFF3800  }
0x3f: {  	[tilespmem:s7], [sflag:$0x1] =	stream.indirect.gather [hbm4b:s5+s6], $0x20, s13, s6, $0xb8;
	[tilespmem:$0x1A900] =	vst v63  }
0x40: {  	_ = 	snop  }
0x41: {  	[hbm4b:s14+s2] =	stream.linear.scatter [tilespmem:s9], [sflag:$0x4], $0xC800, $0x38;
	[tilespmem:$0x1A900] =	vst v63  }
0x42: {  	_ =	swait.ge [sflag:s8], $0xC800  }
0x43: {  	[sflag:s8] =	ssyncset.done $0x0  }
0x44: {  	[sflag:s8] =	ssyncadd.s32 $0xFFFF3800  }
0x45: {  	_ =	swait.ge [sflag:s15], $0xC800  }
0x46: {  	[sflag:s15] =	ssyncset.done $0x0  }
0x47: {  	[sflag:s15] =	ssyncadd.s32 $0xFFFF3800  }
0x48: {  	[tilespmem:s9], [sflag:$0x2] =	stream.indirect.gather [hbm4b:s5+s6], $0x20, s16, s6, $0xb8;
	[tilespmem:$0x1A900] =	vst v63  }
0x49: {  	_ = 	snop  }
0x4a: {  	[hbm4b:s17+s2] =	stream.linear.scatter [tilespmem:s7], [sflag:$0x3], $0xC800, $0x38;
	[tilespmem:$0x1A900] =	vst v63  }
0x4b: {  	_ =	swait.ge [sflag:s11], $0xC800  }
0x4c: {  	[sflag:s11] =	ssyncset.done $0x0  }
0x4d: {  	[sflag:s11] =	ssyncadd.s32 $0xFFFF3800  }
0x4e: {  	[hbm4b:s18+s2] =	stream.linear.scatter [tilespmem:s9], [sflag:$0x4], $0xC800, $0x38;
	[tilespmem:$0x1A900] =	vst v63  }
.Ltmp1:
0x4f: {  	_ =	swait.ge [sflag:s12], $0xC800;
	(pc) =	sbr.rel @p0 .LBB2_1-.Ltmp1, $4  }
0x50: {  	[sflag:s12] =	ssyncset.done $0x0  }
0x51: {  	[sflag:s12] =	ssyncadd.s32 $0xFFFF3800  }
0x52: {  	_ =	swait.ge [sflag:s15], $0xC800  }
0x53: {  	[sflag:s15] =	ssyncset.done $0x0  }
.LBB2_2:
0x54: {  	[sflag:s15] =	ssyncadd.s32 $0xFFFF3800  }
0x55: {  	_ =	sfence.sel $0x180000  }
0x56: {  	[bflag:$0x0] =	sbarrier.arrive $0xFFFF  }
0x57: {  	p0 =	sne.s32 s0, $0x0;
	_ =	strace $0x90000047  }
0x58: {  	s0 =	sadd.s32 @!p0 $0x100000, s1;
	[bflag:$0x2] =	sbarrier.arrive $0xFFFF  }
0x59: {  	[sflag:s0] =	ssyncadd.tile.s32 @!p0 $0x1;
	_ =	shalt  }
.Lfunc_end2:
_tile_overlayer_lowered:
.L_overlay_start_2:
0x5a: {  	(tag) =	ssettag $0x2  }
0x5b: {  	s0 =	rddreg [dreg:$0x0];
	s2 =	stileid.u32  }
0x5c: {  	s1 =	rddreg [dreg:$0x1];
	p0 =	sne.s32 s2, $0x0  }
0x5d: {  	s3 =	rddreg [dreg:$0x2];
	[bflag:$0x3] =	sbarrier.arrive $0xFFFF;
	s2 =	simm.s32 @!p0 $0x1C05  }
0x5e: {  	[timem:s3], [sflag:s2] =	dma.local @!p0 [hbm:s0], s1  }
0x5f: {  	s0 =	simm.s32 @!p0 $0x5  }
0x60: {  	_ =	swait.ge @!p0 [sflag:s0], s1  }
0x61: {  	s1 =	ssub.s32 @!p0 $0x0, s1;
	[sflag:s0] =	ssyncset.done @!p0 $0x0  }
0x62: {  	[sflag:s0] =	ssyncadd.s32 @!p0 s1  }
0x63: {  	[bflag:$0x3] =	sbarrier.arrive $0xFFFF  }
0x64: {  	_ =	shalt  }

</sc_bundles>
